<compile_context>
chip_gen: v7x
topology: tpu7x:2x2x1
jax: 0.10.2.dev20260603
libtpu: 0.0.44.dev20260713+nightly
codegen_flags: <defaults>
</compile_context>

<pallas_src>
import functools

import jax
import jax.numpy as jnp
from jax import lax
from jax.experimental import pallas as pl
from jax.experimental.pallas import tpu as pltpu
from jax.experimental.pallas import tpu_sc as plsc

_LANES = 16
_NBINS = 10001
_NB_PAD = 10240
_CHUNK = 8192
_NBUF = 2
_UNROLL = 16


def _phase1(preds, targets):
    n = preds.shape[0]
    info = plsc.get_sparse_core_info()
    nc, ns = info.num_cores, info.num_subcores
    nw = nc * ns
    per_tile = n // nw
    nchunks = per_tile // _CHUNK
    mesh = plsc.VectorSubcoreMesh(core_axis_name="c", subcore_axis_name="s")

    @functools.partial(
        pl.kernel,
        out_type=jax.ShapeDtypeStruct((nw, 2 * _NB_PAD), jnp.float32),
        mesh=mesh,
        compiler_params=pltpu.CompilerParams(needs_layout_passes=False),
        scratch_types=(
            [pltpu.VMEM((_CHUNK,), jnp.float32) for _ in range(2 * _NBUF)]
            + [pltpu.VMEM((2 * _NB_PAD,), jnp.float32)]
            + [pltpu.SemaphoreType.DMA for _ in range(2 * _NBUF)]
        ),
    )
    def k(preds_hbm, targets_hbm, out_hbm, *rest):
        pbufs = rest[:_NBUF]
        tbufs = rest[_NBUF:2 * _NBUF]
        hist = rest[2 * _NBUF]
        psems = rest[2 * _NBUF + 1:3 * _NBUF + 1]
        tsems = rest[3 * _NBUF + 1:4 * _NBUF + 1]

        cid = lax.axis_index("c")
        sid = lax.axis_index("s")
        wid = sid * nc + cid

        zeros = jnp.zeros((_LANES,), jnp.float32)
        ones = jnp.ones((_LANES,), jnp.float32)

        base = wid * per_tile

        for b in range(_NBUF):
            off = base + b * _CHUNK
            pltpu.async_copy(preds_hbm.at[pl.ds(off, _CHUNK)], pbufs[b], psems[b])
            pltpu.async_copy(targets_hbm.at[pl.ds(off, _CHUNK)], tbufs[b], tsems[b])

        @plsc.parallel_loop(0, 2 * _NB_PAD // _LANES, unroll=8)
        def _(i):
            hist[pl.ds(i * _LANES, _LANES)] = zeros

        def cbody(jj, _):
            for b in range(_NBUF):
                j = jj * _NBUF + b
                pb, tb = pbufs[b], tbufs[b]
                pltpu.make_async_copy(
                    preds_hbm.at[pl.ds(0, _CHUNK)], pb, psems[b]).wait()
                pltpu.make_async_copy(
                    targets_hbm.at[pl.ds(0, _CHUNK)], tb, tsems[b]).wait()

                @plsc.parallel_loop(0, _CHUNK // _LANES, unroll=_UNROLL)
                def _(i, pb=pb, tb=tb):
                    ds = pl.ds(i * _LANES, _LANES)
                    p = pb[ds]
                    t = tb[ds]
                    s = 1.0 / (1.0 + jnp.exp(-p))
                    bn = (10000.0 * s).astype(jnp.int32)
                    half = jnp.where(t >= 0.5, _NB_PAD, 0)
                    plsc.addupdate_scatter(hist, [bn + half], ones)

                nxt = j + _NBUF

                @pl.when(nxt < nchunks)
                def _(b=b, pb=pb, tb=tb, nxt=nxt):
                    off = base + nxt * _CHUNK
                    pltpu.async_copy(
                        preds_hbm.at[pl.ds(off, _CHUNK)], pb, psems[b])
                    pltpu.async_copy(
                        targets_hbm.at[pl.ds(off, _CHUNK)], tb, tsems[b])
            return 0

        lax.fori_loop(0, nchunks // _NBUF, cbody, 0)

        pltpu.sync_copy(hist, out_hbm.at[wid])

    return k(preds, targets)


def _phase2_tc(part4):
    nc = part4.shape[0]
    r, c = part4.shape[2], part4.shape[3]

    def _scan0(x, n):
        sh = 1
        while sh < n:
            z = jnp.zeros((sh,) + x.shape[1:], jnp.float32)
            x = x + jnp.concatenate([z, x[: n - sh]], axis=0)
            sh *= 2
        return x

    def _scan1(x, n):
        sh = 1
        while sh < n:
            z = jnp.zeros(x.shape[:1] + (sh,), jnp.float32)
            x = x + jnp.concatenate([z, x[:, : n - sh]], axis=1)
            sh *= 2
        return x

    def cum2d(x):
        rowcum = _scan1(x, c)
        rowtot = rowcum[:, c - 1:c]
        rowpref = _scan0(rowtot, r) - rowtot
        return rowcum + rowpref

    def body(p_ref, o_ref):
        fp = p_ref[0, 0]
        tp = p_ref[0, 1]
        for k in range(1, nc):
            fp = fp + p_ref[k, 0]
            tp = tp + p_ref[k, 1]
        cum_tp = cum2d(tp)
        cum_fp = cum2d(fp)
        tot_tp = jnp.sum(tp)
        tot_fp = jnp.sum(fp)
        d = jnp.abs(cum_tp / tot_tp - cum_fp / tot_fp)
        o_ref[...] = jnp.broadcast_to(jnp.max(d), (1, 1))

    return pl.pallas_call(
        body,
        out_shape=jax.ShapeDtypeStruct((1, 1), jnp.float32),
    )(part4)


def kernel(preds, targets):
    part = _phase1(preds, targets)
    ks = _phase2_tc(part.reshape(part.shape[0], 2, 80, 128))
    return ks[0, 0]

# --- scband reference (transcript-rebuilt; emitter-appended) ---
"""Pipeline reference for scband-ks-8134668058856 (READ-ONLY COPY).

The authoritative reference and input builder live on the scoring server;
editing this copy changes nothing except your own understanding.
"""

import jax, jax.numpy as jnp
import numpy as np

N = 4194304
NBINS = 10001

def setup_inputs(seed: int = 0):
    key = jax.random.key(seed)
    k1, k2 = jax.random.split(key)
    preds = jax.random.normal(k1, (N,), dtype=jnp.float32)
    targets = jax.random.uniform(k2, (N,), dtype=jnp.float32)
    return {"preds": preds, "targets": targets}

def reference(preds, targets):
    # y_pred = (10000 * sigmoid(preds)).reshape(-1).int()
    y_pred = (10000.0 * jax.nn.sigmoid(preds)).reshape(-1).astype(jnp.int32)
    y_true = targets.reshape(-1)
    pos = (y_true >= 0.5).astype(jnp.float32)
    # the python loop is a scatter-add into the tp/fp histograms
    tpi = jnp.zeros((NBINS,), dtype=jnp.float32).at[y_pred].add(pos)
    fpi = jnp.zeros((NBINS,), dtype=jnp.float32).at[y_pred].add(1.0 - pos)
    # eval_ks(tpi, fpi)
    tp_cum = jnp.cumsum(tpi, axis=0)
    fp_cum = jnp.cumsum(fpi, axis=0)
    tp_curve = tp_cum / tp_cum[-1]
    fp_curve = fp_cum / fp_cum[-1]
    ks_value = jnp.max(jnp.abs(tp_curve - fp_curve))
    return ks_value

if __name__ == "__main__":
    import jax
    _d = setup_inputs()
    print(jax.jit(kernel)(*tuple(_d.values())))

</pallas_src>

<mosaic_0001>
#map = affine_map<(d0, d1) -> (0)>
#map1 = affine_map<(d0, d1) -> (0, 0)>
module attributes {stable_mosaic.version = 14 : i64} {
  func.func @k(%arg0: i32, %arg1: i32, %arg2: memref<4194304xf32, #tpu.memory_space<hbm>>, %arg3: memref<4194304xf32, #tpu.memory_space<hbm>>, %arg4: memref<32x20480xf32, #tpu.memory_space<hbm>>, %arg5: memref<8192xf32, #tpu.memory_space<vmem>>, %arg6: memref<8192xf32, #tpu.memory_space<vmem>>, %arg7: memref<8192xf32, #tpu.memory_space<vmem>>, %arg8: memref<8192xf32, #tpu.memory_space<vmem>>, %arg9: memref<20480xf32, #tpu.memory_space<vmem>>, %arg10: memref<!tpu.dma_semaphore, #tpu.memory_space<semaphore_mem>>, %arg11: memref<!tpu.dma_semaphore, #tpu.memory_space<semaphore_mem>>, %arg12: memref<!tpu.dma_semaphore, #tpu.memory_space<semaphore_mem>>, %arg13: memref<!tpu.dma_semaphore, #tpu.memory_space<semaphore_mem>>) attributes {dimension_semantics = [#tpu.dimension_semantics<core_parallel>, #tpu.dimension_semantics<subcore_parallel>], iteration_bounds = array<i64: 2, 16>, scalar_prefetch = 0 : i64, scratch_operands = 9 : i64, tpu.core_type = #tpu.core_type<sc_vector_subcore>, window_params = [{transform_indices = #map}, {transform_indices = #map}, {transform_indices = #map1}]} {
    %mul3A = arith.constant 2 : i32
    %mul3A_0 = arith.muli %arg1, %mul3A : i32
    %add3A = arith.addi %mul3A_0, %arg0 : i32
    %broadcast_in_dim3A = arith.constant 0.000000e+00 : f32
    %broadcast_in_dim3A_1 = vector.broadcast %broadcast_in_dim3A : f32 to vector<16xf32>
    %broadcast_in_dim3A_2 = arith.constant 1.000000e+00 : f32
    %broadcast_in_dim3A_3 = vector.broadcast %broadcast_in_dim3A_2 : f32 to vector<16xf32>
    %mul3A_4 = arith.constant 131072 : i32
    %mul3A_5 = arith.muli %add3A, %mul3A_4 : i32
    %add3A_6 = arith.constant 0 : i32
    %add3A_7 = arith.addi %mul3A_5, %add3A_6 : i32
    %dma_start3A = tpu.memref_slice %arg2[%add3A_7] : memref<4194304xf32, #tpu.memory_space<hbm>> -> memref<8192xf32, #tpu.memory_space<hbm>>
    %dma_start3A_8 = tpu.memref_slice %arg2[%add3A_7] : memref<4194304xf32, #tpu.memory_space<hbm>> -> memref<8192xf32, #tpu.memory_space<hbm>>
    tpu.enqueue_dma source(%dma_start3A_8 : memref<8192xf32, #tpu.memory_space<hbm>>) target(%arg5 : memref<8192xf32, #tpu.memory_space<vmem>>) target_semaphore(%arg10 : memref<!tpu.dma_semaphore, #tpu.memory_space<semaphore_mem>>)
    %dma_start3A_9 = tpu.memref_slice %arg3[%add3A_7] : memref<4194304xf32, #tpu.memory_space<hbm>> -> memref<8192xf32, #tpu.memory_space<hbm>>
    %dma_start3A_10 = tpu.memref_slice %arg3[%add3A_7] : memref<4194304xf32, #tpu.memory_space<hbm>> -> memref<8192xf32, #tpu.memory_space<hbm>>
    tpu.enqueue_dma source(%dma_start3A_10 : memref<8192xf32, #tpu.memory_space<hbm>>) target(%arg7 : memref<8192xf32, #tpu.memory_space<vmem>>) target_semaphore(%arg12 : memref<!tpu.dma_semaphore, #tpu.memory_space<semaphore_mem>>)
    %add3A_11 = arith.constant 8192 : i32
    %add3A_12 = arith.addi %mul3A_5, %add3A_11 : i32
    %dma_start3A_13 = tpu.memref_slice %arg2[%add3A_12] : memref<4194304xf32, #tpu.memory_space<hbm>> -> memref<8192xf32, #tpu.memory_space<hbm>>
    %dma_start3A_14 = tpu.memref_slice %arg2[%add3A_12] : memref<4194304xf32, #tpu.memory_space<hbm>> -> memref<8192xf32, #tpu.memory_space<hbm>>
    tpu.enqueue_dma source(%dma_start3A_14 : memref<8192xf32, #tpu.memory_space<hbm>>) target(%arg6 : memref<8192xf32, #tpu.memory_space<vmem>>) target_semaphore(%arg11 : memref<!tpu.dma_semaphore, #tpu.memory_space<semaphore_mem>>)
    %dma_start3A_15 = tpu.memref_slice %arg3[%add3A_12] : memref<4194304xf32, #tpu.memory_space<hbm>> -> memref<8192xf32, #tpu.memory_space<hbm>>
    %dma_start3A_16 = tpu.memref_slice %arg3[%add3A_12] : memref<4194304xf32, #tpu.memory_space<hbm>> -> memref<8192xf32, #tpu.memory_space<hbm>>
    tpu.enqueue_dma source(%dma_start3A_16 : memref<8192xf32, #tpu.memory_space<hbm>>) target(%arg8 : memref<8192xf32, #tpu.memory_space<vmem>>) target_semaphore(%arg13 : memref<!tpu.dma_semaphore, #tpu.memory_space<semaphore_mem>>)
    %parallel_loop3A = arith.constant 0 : i32
    %parallel_loop3A_17 = arith.constant 1280 : i32
    %parallel_loop3A_18 = arith.constant 1 : i32
    scf.for %parallel_loop3A_25 = %parallel_loop3A to %parallel_loop3A_17 step %parallel_loop3A_18  : i32 {
      %parallel_loop3A_26 = arith.constant 16 : i32
      %parallel_loop3A_27 = arith.muli %parallel_loop3A_25, %parallel_loop3A_26 : i32
      %parallel_loop3A_28 = arith.index_cast %parallel_loop3A_27 : i32 to index
      %parallel_loop3A_29 = tpu.vector_load %arg9[%parallel_loop3A_28] {strides = array<i32>} : memref<20480xf32, #tpu.memory_space<vmem>>, vector<16xf32>,
      tpu.vector_store %arg9[%parallel_loop3A_28], %broadcast_in_dim3A_1 {strides = array<i32>} : memref<20480xf32, #tpu.memory_space<vmem>>, vector<16xf32>,
    } {sc.loop_unroll_factor = 8 : i64, sc.parallel_access}
    %scan3A = arith.constant 0 : i32
    %scan3A_19 = arith.constant 0 : i32
    %scan3A_20 = arith.constant 8 : i32
    %scan3A_21 = arith.addi %scan3A_19, %scan3A_20 : i32
    %scan3A_22 = arith.constant 1 : i32
    %scan3A_23 = scf.for %scan3A_25 = %scan3A_19 to %scan3A_21 step %scan3A_22 iter_args(%scan3A_26 = %scan3A) -> (i32)  : i32 {
      %mul3A_27 = arith.constant 2 : i32
      %mul3A_28 = arith.muli %scan3A_25, %mul3A_27 : i32
      %add3A_29 = arith.constant 0 : i32
      %add3A_30 = arith.addi %mul3A_28, %add3A_29 : i32
      %dma_wait3A = arith.constant 0 : i32
      %dma_wait3A_31 = tpu.memref_slice %arg2[%dma_wait3A] : memref<4194304xf32, #tpu.memory_space<hbm>> -> memref<8192xf32, #tpu.memory_space<hbm>>
      %dma_wait3A_32 = arith.constant 0 : i32
      %dma_wait3A_33 = tpu.memref_slice %arg2[%dma_wait3A_32] : memref<4194304xf32, #tpu.memory_space<hbm>> -> memref<8192xf32, #tpu.memory_space<hbm>>
      tpu.wait_dma2 semaphore(%arg10 : memref<!tpu.dma_semaphore, #tpu.memory_space<semaphore_mem>>) src(%dma_wait3A_33 : memref<8192xf32, #tpu.memory_space<hbm>>) dst(%arg5 : memref<8192xf32, #tpu.memory_space<vmem>>)
      %dma_wait3A_34 = arith.constant 0 : i32
      %dma_wait3A_35 = tpu.memref_slice %arg3[%dma_wait3A_34] : memref<4194304xf32, #tpu.memory_space<hbm>> -> memref<8192xf32, #tpu.memory_space<hbm>>
      %dma_wait3A_36 = arith.constant 0 : i32
      %dma_wait3A_37 = tpu.memref_slice %arg3[%dma_wait3A_36] : memref<4194304xf32, #tpu.memory_space<hbm>> -> memref<8192xf32, #tpu.memory_space<hbm>>
      tpu.wait_dma2 semaphore(%arg12 : memref<!tpu.dma_semaphore, #tpu.memory_space<semaphore_mem>>) src(%dma_wait3A_37 : memref<8192xf32, #tpu.memory_space<hbm>>) dst(%arg7 : memref<8192xf32, #tpu.memory_space<vmem>>)
      %parallel_loop3A_38 = arith.constant 0 : i32
      %parallel_loop3A_39 = arith.constant 512 : i32
      %parallel_loop3A_40 = arith.constant 1 : i32
      scf.for %parallel_loop3A_68 = %parallel_loop3A_38 to %parallel_loop3A_39 step %parallel_loop3A_40  : i32 {
        %parallel_loop3A_69 = arith.constant 16 : i32
        %parallel_loop3A_70 = arith.muli %parallel_loop3A_68, %parallel_loop3A_69 : i32
        %parallel_loop3A_71 = arith.index_cast %parallel_loop3A_70 : i32 to index
        %parallel_loop3A_72 = tpu.vector_load %arg5[%parallel_loop3A_71] {strides = array<i32>} : memref<8192xf32, #tpu.memory_space<vmem>>, vector<16xf32>,
        %parallel_loop3A_73 = arith.index_cast %parallel_loop3A_70 : i32 to index
        %parallel_loop3A_74 = tpu.vector_load %arg7[%parallel_loop3A_73] {strides = array<i32>} : memref<8192xf32, #tpu.memory_space<vmem>>, vector<16xf32>,
        %parallel_loop3A_75 = arith.constant 0.000000e+00 : f32
        %parallel_loop3A_76 = vector.broadcast %parallel_loop3A_75 : f32 to vector<16xf32>
        %parallel_loop3A_77 = arith.subf %parallel_loop3A_76, %parallel_loop3A_72 : vector<16xf32>
        %parallel_loop3A_78 = math.exp %parallel_loop3A_77 : vector<16xf32>
        %parallel_loop3A_79 = arith.constant 1.000000e+00 : f32
        %parallel_loop3A_80 = vector.broadcast %parallel_loop3A_79 : f32 to vector<16xf32>
        %parallel_loop3A_81 = arith.addf %parallel_loop3A_80, %parallel_loop3A_78 : vector<16xf32>
        %parallel_loop3A_82 = arith.constant 1.000000e+00 : f32
        %parallel_loop3A_83 = vector.broadcast %parallel_loop3A_82 : f32 to vector<16xf32>
        %parallel_loop3A_84 = arith.divf %parallel_loop3A_83, %parallel_loop3A_81 : vector<16xf32>
        %parallel_loop3A_85 = arith.constant 1.000000e+04 : f32
        %parallel_loop3A_86 = vector.broadcast %parallel_loop3A_85 : f32 to vector<16xf32>
        %parallel_loop3A_87 = arith.mulf %parallel_loop3A_86, %parallel_loop3A_84 : vector<16xf32>
        %parallel_loop3A_88 = arith.fptosi %parallel_loop3A_87 : vector<16xf32> to vector<16xi32>
        %parallel_loop3A_89 = arith.constant 5.000000e-01 : f32
        %parallel_loop3A_90 = vector.broadcast %parallel_loop3A_89 : f32 to vector<16xf32>
        %parallel_loop3A_91 = arith.cmpf oge, %parallel_loop3A_74, %parallel_loop3A_90 : vector<16xf32>
        %parallel_loop3A_92 = arith.constant 10240 : i32
        %parallel_loop3A_93 = arith.constant 0 : i32
        %parallel_loop3A_94 = vector.broadcast %parallel_loop3A_92 : i32 to vector<16xi32>
        %parallel_loop3A_95 = vector.broadcast %parallel_loop3A_93 : i32 to vector<16xi32>
        %parallel_loop3A_96 = arith.select %parallel_loop3A_91, %parallel_loop3A_94, %parallel_loop3A_95 : vector<16xi1>, vector<16xi32>
        %parallel_loop3A_97 = arith.addi %parallel_loop3A_88, %parallel_loop3A_96 : vector<16xi32>
        tpu.vector_store_idx %arg9[%parallel_loop3A_97], %broadcast_in_dim3A_3 {add = true} : memref<20480xf32, #tpu.memory_space<vmem>>[vector<16xi32>], vector<16xf32>,
      } {sc.loop_unroll_factor = 16 : i64, sc.parallel_access}
      %add3A_41 = arith.constant 2 : i32
      %add3A_42 = arith.addi %add3A_30, %add3A_41 : i32
      %lt3A = arith.constant 16 : i32
      %lt3A_43 = arith.cmpi slt, %add3A_42, %lt3A : i32
      %convert_element_type3A = arith.extui %lt3A_43 : i1 to i32
      %cond3A = arith.constant 0 : i32
      %cond3A_44 = arith.cmpi ne, %convert_element_type3A, %cond3A : i32
      scf.if %cond3A_44 {
        %mul3A_68 = arith.constant 8192 : i32
        %mul3A_69 = arith.muli %add3A_42, %mul3A_68 : i32
        %add3A_70 = arith.addi %mul3A_5, %mul3A_69 : i32
        %dma_start3A_71 = tpu.memref_slice %arg2[%add3A_70] : memref<4194304xf32, #tpu.memory_space<hbm>> -> memref<8192xf32, #tpu.memory_space<hbm>>
        %dma_start3A_72 = tpu.memref_slice %arg2[%add3A_70] : memref<4194304xf32, #tpu.memory_space<hbm>> -> memref<8192xf32, #tpu.memory_space<hbm>>
        tpu.enqueue_dma source(%dma_start3A_72 : memref<8192xf32, #tpu.memory_space<hbm>>) target(%arg5 : memref<8192xf32, #tpu.memory_space<vmem>>) target_semaphore(%arg10 : memref<!tpu.dma_semaphore, #tpu.memory_space<semaphore_mem>>)
        %dma_start3A_73 = tpu.memref_slice %arg3[%add3A_70] : memref<4194304xf32, #tpu.memory_space<hbm>> -> memref<8192xf32, #tpu.memory_space<hbm>>
        %dma_start3A_74 = tpu.memref_slice %arg3[%add3A_70] : memref<4194304xf32, #tpu.memory_space<hbm>> -> memref<8192xf32, #tpu.memory_space<hbm>>
        tpu.enqueue_dma source(%dma_start3A_74 : memref<8192xf32, #tpu.memory_space<hbm>>) target(%arg7 : memref<8192xf32, #tpu.memory_space<vmem>>) target_semaphore(%arg12 : memref<!tpu.dma_semaphore, #tpu.memory_space<semaphore_mem>>)
      } else {
      }
      %mul3A_45 = arith.constant 2 : i32
      %mul3A_46 = arith.muli %scan3A_25, %mul3A_45 : i32
      %add3A_47 = arith.constant 1 : i32
      %add3A_48 = arith.addi %mul3A_46, %add3A_47 : i32
      %dma_wait3A_49 = arith.constant 0 : i32
      %dma_wait3A_50 = tpu.memref_slice %arg2[%dma_wait3A_49] : memref<4194304xf32, #tpu.memory_space<hbm>> -> memref<8192xf32, #tpu.memory_space<hbm>>
      %dma_wait3A_51 = arith.constant 0 : i32
      %dma_wait3A_52 = tpu.memref_slice %arg2[%dma_wait3A_51] : memref<4194304xf32, #tpu.memory_space<hbm>> -> memref<8192xf32, #tpu.memory_space<hbm>>
      tpu.wait_dma2 semaphore(%arg11 : memref<!tpu.dma_semaphore, #tpu.memory_space<semaphore_mem>>) src(%dma_wait3A_52 : memref<8192xf32, #tpu.memory_space<hbm>>) dst(%arg6 : memref<8192xf32, #tpu.memory_space<vmem>>)
      %dma_wait3A_53 = arith.constant 0 : i32
      %dma_wait3A_54 = tpu.memref_slice %arg3[%dma_wait3A_53] : memref<4194304xf32, #tpu.memory_space<hbm>> -> memref<8192xf32, #tpu.memory_space<hbm>>
      %dma_wait3A_55 = arith.constant 0 : i32
      %dma_wait3A_56 = tpu.memref_slice %arg3[%dma_wait3A_55] : memref<4194304xf32, #tpu.memory_space<hbm>> -> memref<8192xf32, #tpu.memory_space<hbm>>
      tpu.wait_dma2 semaphore(%arg13 : memref<!tpu.dma_semaphore, #tpu.memory_space<semaphore_mem>>) src(%dma_wait3A_56 : memref<8192xf32, #tpu.memory_space<hbm>>) dst(%arg8 : memref<8192xf32, #tpu.memory_space<vmem>>)
      %parallel_loop3A_57 = arith.constant 0 : i32
      %parallel_loop3A_58 = arith.constant 512 : i32
      %parallel_loop3A_59 = arith.constant 1 : i32
      scf.for %parallel_loop3A_68 = %parallel_loop3A_57 to %parallel_loop3A_58 step %parallel_loop3A_59  : i32 {
        %parallel_loop3A_69 = arith.constant 16 : i32
        %parallel_loop3A_70 = arith.muli %parallel_loop3A_68, %parallel_loop3A_69 : i32
        %parallel_loop3A_71 = arith.index_cast %parallel_loop3A_70 : i32 to index
        %parallel_loop3A_72 = tpu.vector_load %arg6[%parallel_loop3A_71] {strides = array<i32>} : memref<8192xf32, #tpu.memory_space<vmem>>, vector<16xf32>,
        %parallel_loop3A_73 = arith.index_cast %parallel_loop3A_70 : i32 to index
        %parallel_loop3A_74 = tpu.vector_load %arg8[%parallel_loop3A_73] {strides = array<i32>} : memref<8192xf32, #tpu.memory_space<vmem>>, vector<16xf32>,
        %parallel_loop3A_75 = arith.constant 0.000000e+00 : f32
        %parallel_loop3A_76 = vector.broadcast %parallel_loop3A_75 : f32 to vector<16xf32>
        %parallel_loop3A_77 = arith.subf %parallel_loop3A_76, %parallel_loop3A_72 : vector<16xf32>
        %parallel_loop3A_78 = math.exp %parallel_loop3A_77 : vector<16xf32>
        %parallel_loop3A_79 = arith.constant 1.000000e+00 : f32
        %parallel_loop3A_80 = vector.broadcast %parallel_loop3A_79 : f32 to vector<16xf32>
        %parallel_loop3A_81 = arith.addf %parallel_loop3A_80, %parallel_loop3A_78 : vector<16xf32>
        %parallel_loop3A_82 = arith.constant 1.000000e+00 : f32
        %parallel_loop3A_83 = vector.broadcast %parallel_loop3A_82 : f32 to vector<16xf32>
        %parallel_loop3A_84 = arith.divf %parallel_loop3A_83, %parallel_loop3A_81 : vector<16xf32>
        %parallel_loop3A_85 = arith.constant 1.000000e+04 : f32
        %parallel_loop3A_86 = vector.broadcast %parallel_loop3A_85 : f32 to vector<16xf32>
        %parallel_loop3A_87 = arith.mulf %parallel_loop3A_86, %parallel_loop3A_84 : vector<16xf32>
        %parallel_loop3A_88 = arith.fptosi %parallel_loop3A_87 : vector<16xf32> to vector<16xi32>
        %parallel_loop3A_89 = arith.constant 5.000000e-01 : f32
        %parallel_loop3A_90 = vector.broadcast %parallel_loop3A_89 : f32 to vector<16xf32>
        %parallel_loop3A_91 = arith.cmpf oge, %parallel_loop3A_74, %parallel_loop3A_90 : vector<16xf32>
        %parallel_loop3A_92 = arith.constant 10240 : i32
        %parallel_loop3A_93 = arith.constant 0 : i32
        %parallel_loop3A_94 = vector.broadcast %parallel_loop3A_92 : i32 to vector<16xi32>
        %parallel_loop3A_95 = vector.broadcast %parallel_loop3A_93 : i32 to vector<16xi32>
        %parallel_loop3A_96 = arith.select %parallel_loop3A_91, %parallel_loop3A_94, %parallel_loop3A_95 : vector<16xi1>, vector<16xi32>
        %parallel_loop3A_97 = arith.addi %parallel_loop3A_88, %parallel_loop3A_96 : vector<16xi32>
        tpu.vector_store_idx %arg9[%parallel_loop3A_97], %broadcast_in_dim3A_3 {add = true} : memref<20480xf32, #tpu.memory_space<vmem>>[vector<16xi32>], vector<16xf32>,
      } {sc.loop_unroll_factor = 16 : i64, sc.parallel_access}
      %add3A_60 = arith.constant 2 : i32
      %add3A_61 = arith.addi %add3A_48, %add3A_60 : i32
      %lt3A_62 = arith.constant 16 : i32
      %lt3A_63 = arith.cmpi slt, %add3A_61, %lt3A_62 : i32
      %convert_element_type3A_64 = arith.extui %lt3A_63 : i1 to i32
      %cond3A_65 = arith.constant 0 : i32
      %cond3A_66 = arith.cmpi ne, %convert_element_type3A_64, %cond3A_65 : i32
      scf.if %cond3A_66 {
        %mul3A_68 = arith.constant 8192 : i32
        %mul3A_69 = arith.muli %add3A_61, %mul3A_68 : i32
        %add3A_70 = arith.addi %mul3A_5, %mul3A_69 : i32
        %dma_start3A_71 = tpu.memref_slice %arg2[%add3A_70] : memref<4194304xf32, #tpu.memory_space<hbm>> -> memref<8192xf32, #tpu.memory_space<hbm>>
        %dma_start3A_72 = tpu.memref_slice %arg2[%add3A_70] : memref<4194304xf32, #tpu.memory_space<hbm>> -> memref<8192xf32, #tpu.memory_space<hbm>>
        tpu.enqueue_dma source(%dma_start3A_72 : memref<8192xf32, #tpu.memory_space<hbm>>) target(%arg6 : memref<8192xf32, #tpu.memory_space<vmem>>) target_semaphore(%arg11 : memref<!tpu.dma_semaphore, #tpu.memory_space<semaphore_mem>>)
        %dma_start3A_73 = tpu.memref_slice %arg3[%add3A_70] : memref<4194304xf32, #tpu.memory_space<hbm>> -> memref<8192xf32, #tpu.memory_space<hbm>>
        %dma_start3A_74 = tpu.memref_slice %arg3[%add3A_70] : memref<4194304xf32, #tpu.memory_space<hbm>> -> memref<8192xf32, #tpu.memory_space<hbm>>
        tpu.enqueue_dma source(%dma_start3A_74 : memref<8192xf32, #tpu.memory_space<hbm>>) target(%arg8 : memref<8192xf32, #tpu.memory_space<vmem>>) target_semaphore(%arg13 : memref<!tpu.dma_semaphore, #tpu.memory_space<semaphore_mem>>)
      } else {
      }
      %scan3A_67 = arith.constant 0 : i32
      scf.yield %scan3A_67 : i32
    }
    %scan3A_24 = arith.constant 8 : i32
    "tpu.region"() ({
      %run_scoped3A = tpu.sem_alloc : memref<!tpu.dma_semaphore, #tpu.memory_space<semaphore_mem>>
      %dma_start3A_25 = arith.constant 0 : i32
      %dma_start3A_26 = tpu.memref_slice %arg4[%add3A, %dma_start3A_25] : memref<32x20480xf32, #tpu.memory_space<hbm>> -> memref<1x20480xf32, #tpu.memory_space<hbm>>
      %dma_start3A_27 = tpu.memref_squeeze %dma_start3A_26 : memref<1x20480xf32, #tpu.memory_space<hbm>> -> memref<20480xf32, #tpu.memory_space<hbm>>
      %dma_start3A_28 = arith.constant 0 : i32
      %dma_start3A_29 = tpu.memref_slice %arg4[%add3A, %dma_start3A_28] : memref<32x20480xf32, #tpu.memory_space<hbm>> -> memref<1x20480xf32, #tpu.memory_space<hbm>>
      %dma_start3A_30 = tpu.memref_squeeze %dma_start3A_29 : memref<1x20480xf32, #tpu.memory_space<hbm>> -> memref<20480xf32, #tpu.memory_space<hbm>>
      tpu.enqueue_dma source(%arg9 : memref<20480xf32, #tpu.memory_space<vmem>>) target(%dma_start3A_30 : memref<20480xf32, #tpu.memory_space<hbm>>) target_semaphore(%run_scoped3A : memref<!tpu.dma_semaphore, #tpu.memory_space<semaphore_mem>>)
      %dma_wait3A = arith.constant 0 : i32
      %dma_wait3A_31 = tpu.memref_slice %arg4[%add3A, %dma_wait3A] : memref<32x20480xf32, #tpu.memory_space<hbm>> -> memref<1x20480xf32, #tpu.memory_space<hbm>>
      %dma_wait3A_32 = tpu.memref_squeeze %dma_wait3A_31 : memref<1x20480xf32, #tpu.memory_space<hbm>> -> memref<20480xf32, #tpu.memory_space<hbm>>
      %dma_wait3A_33 = arith.constant 0 : i32
      %dma_wait3A_34 = tpu.memref_slice %arg4[%add3A, %dma_wait3A_33] : memref<32x20480xf32, #tpu.memory_space<hbm>> -> memref<1x20480xf32, #tpu.memory_space<hbm>>
      %dma_wait3A_35 = tpu.memref_squeeze %dma_wait3A_34 : memref<1x20480xf32, #tpu.memory_space<hbm>> -> memref<20480xf32, #tpu.memory_space<hbm>>
      tpu.wait_dma2 semaphore(%run_scoped3A : memref<!tpu.dma_semaphore, #tpu.memory_space<semaphore_mem>>) src(%arg9 : memref<20480xf32, #tpu.memory_space<vmem>>) dst(%dma_wait3A_35 : memref<20480xf32, #tpu.memory_space<hbm>>)
      tpu.yield
    }) : () -> ()
    return
  }
}

module attributes {stable_mosaic.version = 14 : i64} {
  func.func @body(%arg0: memref<32x2x80x128xf32, #tpu.memory_space<vmem>>, %arg1: memref<1x1xf32, #tpu.memory_space<vmem>>) attributes {dimension_semantics = [], scalar_prefetch = 0 : i64, scratch_operands = 0 : i64, tpu.core_type = #tpu.core_type<tc>} {
    %get3A = arith.constant 0 : index
    %get3A_0 = arith.constant 0 : index
    %get3A_1 = arith.constant 0 : index
    %get3A_2 = arith.constant 0 : index
    %get3A_3 = vector.load %arg0[%get3A, %get3A_0, %get3A_1, %get3A_2] : memref<32x2x80x128xf32, #tpu.memory_space<vmem>>, vector<1x1x80x128xf32>
    %get3A_4 = vector.shape_cast %get3A_3 : vector<1x1x80x128xf32> to vector<80x128xf32>
    %get3A_5 = arith.constant 0 : index
    %get3A_6 = arith.constant 1 : index
    %get3A_7 = arith.constant 0 : index
    %get3A_8 = arith.constant 0 : index
    %get3A_9 = vector.load %arg0[%get3A_5, %get3A_6, %get3A_7, %get3A_8] : memref<32x2x80x128xf32, #tpu.memory_space<vmem>>, vector<1x1x80x128xf32>
    %get3A_10 = vector.shape_cast %get3A_9 : vector<1x1x80x128xf32> to vector<80x128xf32>
    %get3A_11 = arith.constant 1 : index
    %get3A_12 = arith.constant 0 : index
    %get3A_13 = arith.constant 0 : index
    %get3A_14 = arith.constant 0 : index
    %get3A_15 = vector.load %arg0[%get3A_11, %get3A_12, %get3A_13, %get3A_14] : memref<32x2x80x128xf32, #tpu.memory_space<vmem>>, vector<1x1x80x128xf32>
    %get3A_16 = vector.shape_cast %get3A_15 : vector<1x1x80x128xf32> to vector<80x128xf32>
    %add3A = arith.addf %get3A_4, %get3A_16 : vector<80x128xf32>
    %get3A_17 = arith.constant 1 : index
    %get3A_18 = arith.constant 1 : index
    %get3A_19 = arith.constant 0 : index
    %get3A_20 = arith.constant 0 : index
    %get3A_21 = vector.load %arg0[%get3A_17, %get3A_18, %get3A_19, %get3A_20] : memref<32x2x80x128xf32, #tpu.memory_space<vmem>>, vector<1x1x80x128xf32>
    %get3A_22 = vector.shape_cast %get3A_21 : vector<1x1x80x128xf32> to vector<80x128xf32>
    %add3A_23 = arith.addf %get3A_10, %get3A_22 : vector<80x128xf32>
    %get3A_24 = arith.constant 2 : index
    %get3A_25 = arith.constant 0 : index
    %get3A_26 = arith.constant 0 : index
    %get3A_27 = arith.constant 0 : index
    %get3A_28 = vector.load %arg0[%get3A_24, %get3A_25, %get3A_26, %get3A_27] : memref<32x2x80x128xf32, #tpu.memory_space<vmem>>, vector<1x1x80x128xf32>
    %get3A_29 = vector.shape_cast %get3A_28 : vector<1x1x80x128xf32> to vector<80x128xf32>
    %add3A_30 = arith.addf %add3A, %get3A_29 : vector<80x128xf32>
    %get3A_31 = arith.constant 2 : index
    %get3A_32 = arith.constant 1 : index
    %get3A_33 = arith.constant 0 : index
    %get3A_34 = arith.constant 0 : index
    %get3A_35 = vector.load %arg0[%get3A_31, %get3A_32, %get3A_33, %get3A_34] : memref<32x2x80x128xf32, #tpu.memory_space<vmem>>, vector<1x1x80x128xf32>
    %get3A_36 = vector.shape_cast %get3A_35 : vector<1x1x80x128xf32> to vector<80x128xf32>
    %add3A_37 = arith.addf %add3A_23, %get3A_36 : vector<80x128xf32>
    %get3A_38 = arith.constant 3 : index
    %get3A_39 = arith.constant 0 : index
    %get3A_40 = arith.constant 0 : index
    %get3A_41 = arith.constant 0 : index
    %get3A_42 = vector.load %arg0[%get3A_38, %get3A_39, %get3A_40, %get3A_41] : memref<32x2x80x128xf32, #tpu.memory_space<vmem>>, vector<1x1x80x128xf32>
    %get3A_43 = vector.shape_cast %get3A_42 : vector<1x1x80x128xf32> to vector<80x128xf32>
    %add3A_44 = arith.addf %add3A_30, %get3A_43 : vector<80x128xf32>
    %get3A_45 = arith.constant 3 : index
    %get3A_46 = arith.constant 1 : index
    %get3A_47 = arith.constant 0 : index
    %get3A_48 = arith.constant 0 : index
    %get3A_49 = vector.load %arg0[%get3A_45, %get3A_46, %get3A_47, %get3A_48] : memref<32x2x80x128xf32, #tpu.memory_space<vmem>>, vector<1x1x80x128xf32>
    %get3A_50 = vector.shape_cast %get3A_49 : vector<1x1x80x128xf32> to vector<80x128xf32>
    %add3A_51 = arith.addf %add3A_37, %get3A_50 : vector<80x128xf32>
    %get3A_52 = arith.constant 4 : index
    %get3A_53 = arith.constant 0 : index
    %get3A_54 = arith.constant 0 : index
    %get3A_55 = arith.constant 0 : index
    %get3A_56 = vector.load %arg0[%get3A_52, %get3A_53, %get3A_54, %get3A_55] : memref<32x2x80x128xf32, #tpu.memory_space<vmem>>, vector<1x1x80x128xf32>
    %get3A_57 = vector.shape_cast %get3A_56 : vector<1x1x80x128xf32> to vector<80x128xf32>
    %add3A_58 = arith.addf %add3A_44, %get3A_57 : vector<80x128xf32>
    %get3A_59 = arith.constant 4 : index
    %get3A_60 = arith.constant 1 : index
    %get3A_61 = arith.constant 0 : index
    %get3A_62 = arith.constant 0 : index
    %get3A_63 = vector.load %arg0[%get3A_59, %get3A_60, %get3A_61, %get3A_62] : memref<32x2x80x128xf32, #tpu.memory_space<vmem>>, vector<1x1x80x128xf32>
    %get3A_64 = vector.shape_cast %get3A_63 : vector<1x1x80x128xf32> to vector<80x128xf32>
    %add3A_65 = arith.addf %add3A_51, %get3A_64 : vector<80x128xf32>
    %get3A_66 = arith.constant 5 : index
    %get3A_67 = arith.constant 0 : index
    %get3A_68 = arith.constant 0 : index
    %get3A_69 = arith.constant 0 : index
    %get3A_70 = vector.load %arg0[%get3A_66, %get3A_67, %get3A_68, %get3A_69] : memref<32x2x80x128xf32, #tpu.memory_space<vmem>>, vector<1x1x80x128xf32>
    %get3A_71 = vector.shape_cast %get3A_70 : vector<1x1x80x128xf32> to vector<80x128xf32>
    %add3A_72 = arith.addf %add3A_58, %get3A_71 : vector<80x128xf32>
    %get3A_73 = arith.constant 5 : index
    %get3A_74 = arith.constant 1 : index
    %get3A_75 = arith.constant 0 : index
    %get3A_76 = arith.constant 0 : index
    %get3A_77 = vector.load %arg0[%get3A_73, %get3A_74, %get3A_75, %get3A_76] : memref<32x2x80x128xf32, #tpu.memory_space<vmem>>, vector<1x1x80x128xf32>
    %get3A_78 = vector.shape_cast %get3A_77 : vector<1x1x80x128xf32> to vector<80x128xf32>
    %add3A_79 = arith.addf %add3A_65, %get3A_78 : vector<80x128xf32>
    %get3A_80 = arith.constant 6 : index
    %get3A_81 = arith.constant 0 : index
    %get3A_82 = arith.constant 0 : index
    %get3A_83 = arith.constant 0 : index
    %get3A_84 = vector.load %arg0[%get3A_80, %get3A_81, %get3A_82, %get3A_83] : memref<32x2x80x128xf32, #tpu.memory_space<vmem>>, vector<1x1x80x128xf32>
    %get3A_85 = vector.shape_cast %get3A_84 : vector<1x1x80x128xf32> to vector<80x128xf32>
    %add3A_86 = arith.addf %add3A_72, %get3A_85 : vector<80x128xf32>
    %get3A_87 = arith.constant 6 : index
    %get3A_88 = arith.constant 1 : index
    %get3A_89 = arith.constant 0 : index
    %get3A_90 = arith.constant 0 : index
    %get3A_91 = vector.load %arg0[%get3A_87, %get3A_88, %get3A_89, %get3A_90] : memref<32x2x80x128xf32, #tpu.memory_space<vmem>>, vector<1x1x80x128xf32>
    %get3A_92 = vector.shape_cast %get3A_91 : vector<1x1x80x128xf32> to vector<80x128xf32>
    %add3A_93 = arith.addf %add3A_79, %get3A_92 : vector<80x128xf32>
    %get3A_94 = arith.constant 7 : index
    %get3A_95 = arith.constant 0 : index
    %get3A_96 = arith.constant 0 : index
    %get3A_97 = arith.constant 0 : index
    %get3A_98 = vector.load %arg0[%get3A_94, %get3A_95, %get3A_96, %get3A_97] : memref<32x2x80x128xf32, #tpu.memory_space<vmem>>, vector<1x1x80x128xf32>
    %get3A_99 = vector.shape_cast %get3A_98 : vector<1x1x80x128xf32> to vector<80x128xf32>
    %add3A_100 = arith.addf %add3A_86, %get3A_99 : vector<80x128xf32>
    %get3A_101 = arith.constant 7 : index
    %get3A_102 = arith.constant 1 : index
    %get3A_103 = arith.constant 0 : index
    %get3A_104 = arith.constant 0 : index
    %get3A_105 = vector.load %arg0[%get3A_101, %get3A_102, %get3A_103, %get3A_104] : memref<32x2x80x128xf32, #tpu.memory_space<vmem>>, vector<1x1x80x128xf32>
    %get3A_106 = vector.shape_cast %get3A_105 : vector<1x1x80x128xf32> to vector<80x128xf32>
    %add3A_107 = arith.addf %add3A_93, %get3A_106 : vector<80x128xf32>
    %get3A_108 = arith.constant 8 : index
    %get3A_109 = arith.constant 0 : index
    %get3A_110 = arith.constant 0 : index
    %get3A_111 = arith.constant 0 : index
    %get3A_112 = vector.load %arg0[%get3A_108, %get3A_109, %get3A_110, %get3A_111] : memref<32x2x80x128xf32, #tpu.memory_space<vmem>>, vector<1x1x80x128xf32>
    %get3A_113 = vector.shape_cast %get3A_112 : vector<1x1x80x128xf32> to vector<80x128xf32>
    %add3A_114 = arith.addf %add3A_100, %get3A_113 : vector<80x128xf32>
    %get3A_115 = arith.constant 8 : index
    %get3A_116 = arith.constant 1 : index
    %get3A_117 = arith.constant 0 : index
    %get3A_118 = arith.constant 0 : index
    %get3A_119 = vector.load %arg0[%get3A_115, %get3A_116, %get3A_117, %get3A_118] : memref<32x2x80x128xf32, #tpu.memory_space<vmem>>, vector<1x1x80x128xf32>
    %get3A_120 = vector.shape_cast %get3A_119 : vector<1x1x80x128xf32> to vector<80x128xf32>
    %add3A_121 = arith.addf %add3A_107, %get3A_120 : vector<80x128xf32>
    %get3A_122 = arith.constant 9 : index
    %get3A_123 = arith.constant 0 : index
    %get3A_124 = arith.constant 0 : index
    %get3A_125 = arith.constant 0 : index
    %get3A_126 = vector.load %arg0[%get3A_122, %get3A_123, %get3A_124, %get3A_125] : memref<32x2x80x128xf32, #tpu.memory_space<vmem>>, vector<1x1x80x128xf32>
    %get3A_127 = vector.shape_cast %get3A_126 : vector<1x1x80x128xf32> to vector<80x128xf32>
    %add3A_128 = arith.addf %add3A_114, %get3A_127 : vector<80x128xf32>
    %get3A_129 = arith.constant 9 : index
    %get3A_130 = arith.constant 1 : index
    %get3A_131 = arith.constant 0 : index
    %get3A_132 = arith.constant 0 : index
    %get3A_133 = vector.load %arg0[%get3A_129, %get3A_130, %get3A_131, %get3A_132] : memref<32x2x80x128xf32, #tpu.memory_space<vmem>>, vector<1x1x80x128xf32>
    %get3A_134 = vector.shape_cast %get3A_133 : vector<1x1x80x128xf32> to vector<80x128xf32>
    %add3A_135 = arith.addf %add3A_121, %get3A_134 : vector<80x128xf32>
    %get3A_136 = arith.constant 10 : index
    %get3A_137 = arith.constant 0 : index
    %get3A_138 = arith.constant 0 : index
    %get3A_139 = arith.constant 0 : index
    %get3A_140 = vector.load %arg0[%get3A_136, %get3A_137, %get3A_138, %get3A_139] : memref<32x2x80x128xf32, #tpu.memory_space<vmem>>, vector<1x1x80x128xf32>
    %get3A_141 = vector.shape_cast %get3A_140 : vector<1x1x80x128xf32> to vector<80x128xf32>
    %add3A_142 = arith.addf %add3A_128, %get3A_141 : vector<80x128xf32>
    %get3A_143 = arith.constant 10 : index
    %get3A_144 = arith.constant 1 : index
    %get3A_145 = arith.constant 0 : index
    %get3A_146 = arith.constant 0 : index
    %get3A_147 = vector.load %arg0[%get3A_143, %get3A_144, %get3A_145, %get3A_146] : memref<32x2x80x128xf32, #tpu.memory_space<vmem>>, vector<1x1x80x128xf32>
    %get3A_148 = vector.shape_cast %get3A_147 : vector<1x1x80x128xf32> to vector<80x128xf32>
    %add3A_149 = arith.addf %add3A_135, %get3A_148 : vector<80x128xf32>
    %get3A_150 = arith.constant 11 : index
    %get3A_151 = arith.constant 0 : index
    %get3A_152 = arith.constant 0 : index
    %get3A_153 = arith.constant 0 : index
    %get3A_154 = vector.load %arg0[%get3A_150, %get3A_151, %get3A_152, %get3A_153] : memref<32x2x80x128xf32, #tpu.memory_space<vmem>>, vector<1x1x80x128xf32>
    %get3A_155 = vector.shape_cast %get3A_154 : vector<1x1x80x128xf32> to vector<80x128xf32>
    %add3A_156 = arith.addf %add3A_142, %get3A_155 : vector<80x128xf32>
    %get3A_157 = arith.constant 11 : index
    %get3A_158 = arith.constant 1 : index
    %get3A_159 = arith.constant 0 : index
    %get3A_160 = arith.constant 0 : index
    %get3A_161 = vector.load %arg0[%get3A_157, %get3A_158, %get3A_159, %get3A_160] : memref<32x2x80x128xf32, #tpu.memory_space<vmem>>, vector<1x1x80x128xf32>
    %get3A_162 = vector.shape_cast %get3A_161 : vector<1x1x80x128xf32> to vector<80x128xf32>
    %add3A_163 = arith.addf %add3A_149, %get3A_162 : vector<80x128xf32>
    %get3A_164 = arith.constant 12 : index
    %get3A_165 = arith.constant 0 : index
    %get3A_166 = arith.constant 0 : index
    %get3A_167 = arith.constant 0 : index
    %get3A_168 = vector.load %arg0[%get3A_164, %get3A_165, %get3A_166, %get3A_167] : memref<32x2x80x128xf32, #tpu.memory_space<vmem>>, vector<1x1x80x128xf32>
    %get3A_169 = vector.shape_cast %get3A_168 : vector<1x1x80x128xf32> to vector<80x128xf32>
    %add3A_170 = arith.addf %add3A_156, %get3A_169 : vector<80x128xf32>
    %get3A_171 = arith.constant 12 : index
    %get3A_172 = arith.constant 1 : index
    %get3A_173 = arith.constant 0 : index
    %get3A_174 = arith.constant 0 : index
    %get3A_175 = vector.load %arg0[%get3A_171, %get3A_172, %get3A_173, %get3A_174] : memref<32x2x80x128xf32, #tpu.memory_space<vmem>>, vector<1x1x80x128xf32>
    %get3A_176 = vector.shape_cast %get3A_175 : vector<1x1x80x128xf32> to vector<80x128xf32>
    %add3A_177 = arith.addf %add3A_163, %get3A_176 : vector<80x128xf32>
    %get3A_178 = arith.constant 13 : index
    %get3A_179 = arith.constant 0 : index
    %get3A_180 = arith.constant 0 : index
    %get3A_181 = arith.constant 0 : index
    %get3A_182 = vector.load %arg0[%get3A_178, %get3A_179, %get3A_180, %get3A_181] : memref<32x2x80x128xf32, #tpu.memory_space<vmem>>, vector<1x1x80x128xf32>
    %get3A_183 = vector.shape_cast %get3A_182 : vector<1x1x80x128xf32> to vector<80x128xf32>
    %add3A_184 = arith.addf %add3A_170, %get3A_183 : vector<80x128xf32>
    %get3A_185 = arith.constant 13 : index
    %get3A_186 = arith.constant 1 : index
    %get3A_187 = arith.constant 0 : index
    %get3A_188 = arith.constant 0 : index
    %get3A_189 = vector.load %arg0[%get3A_185, %get3A_186, %get3A_187, %get3A_188] : memref<32x2x80x128xf32, #tpu.memory_space<vmem>>, vector<1x1x80x128xf32>
    %get3A_190 = vector.shape_cast %get3A_189 : vector<1x1x80x128xf32> to vector<80x128xf32>
    %add3A_191 = arith.addf %add3A_177, %get3A_190 : vector<80x128xf32>
    %get3A_192 = arith.constant 14 : index
    %get3A_193 = arith.constant 0 : index
    %get3A_194 = arith.constant 0 : index
    %get3A_195 = arith.constant 0 : index
    %get3A_196 = vector.load %arg0[%get3A_192, %get3A_193, %get3A_194, %get3A_195] : memref<32x2x80x128xf32, #tpu.memory_space<vmem>>, vector<1x1x80x128xf32>
    %get3A_197 = vector.shape_cast %get3A_196 : vector<1x1x80x128xf32> to vector<80x128xf32>
    %add3A_198 = arith.addf %add3A_184, %get3A_197 : vector<80x128xf32>
    %get3A_199 = arith.constant 14 : index
    %get3A_200 = arith.constant 1 : index
    %get3A_201 = arith.constant 0 : index
    %get3A_202 = arith.constant 0 : index
    %get3A_203 = vector.load %arg0[%get3A_199, %get3A_200, %get3A_201, %get3A_202] : memref<32x2x80x128xf32, #tpu.memory_space<vmem>>, vector<1x1x80x128xf32>
    %get3A_204 = vector.shape_cast %get3A_203 : vector<1x1x80x128xf32> to vector<80x128xf32>
    %add3A_205 = arith.addf %add3A_191, %get3A_204 : vector<80x128xf32>
    %get3A_206 = arith.constant 15 : index
    %get3A_207 = arith.constant 0 : index
    %get3A_208 = arith.constant 0 : index
    %get3A_209 = arith.constant 0 : index
    %get3A_210 = vector.load %arg0[%get3A_206, %get3A_207, %get3A_208, %get3A_209] : memref<32x2x80x128xf32, #tpu.memory_space<vmem>>, vector<1x1x80x128xf32>
    %get3A_211 = vector.shape_cast %get3A_210 : vector<1x1x80x128xf32> to vector<80x128xf32>
    %add3A_212 = arith.addf %add3A_198, %get3A_211 : vector<80x128xf32>
    %get3A_213 = arith.constant 15 : index
    %get3A_214 = arith.constant 1 : index
    %get3A_215 = arith.constant 0 : index
    %get3A_216 = arith.constant 0 : index
    %get3A_217 = vector.load %arg0[%get3A_213, %get3A_214, %get3A_215, %get3A_216] : memref<32x2x80x128xf32, #tpu.memory_space<vmem>>, vector<1x1x80x128xf32>
    %get3A_218 = vector.shape_cast %get3A_217 : vector<1x1x80x128xf32> to vector<80x128xf32>
    %add3A_219 = arith.addf %add3A_205, %get3A_218 : vector<80x128xf32>
    %get3A_220 = arith.constant 16 : index
    %get3A_221 = arith.constant 0 : index
    %get3A_222 = arith.constant 0 : index
    %get3A_223 = arith.constant 0 : index
    %get3A_224 = vector.load %arg0[%get3A_220, %get3A_221, %get3A_222, %get3A_223] : memref<32x2x80x128xf32, #tpu.memory_space<vmem>>, vector<1x1x80x128xf32>
    %get3A_225 = vector.shape_cast %get3A_224 : vector<1x1x80x128xf32> to vector<80x128xf32>
    %add3A_226 = arith.addf %add3A_212, %get3A_225 : vector<80x128xf32>
    %get3A_227 = arith.constant 16 : index
    %get3A_228 = arith.constant 1 : index
    %get3A_229 = arith.constant 0 : index
    %get3A_230 = arith.constant 0 : index
    %get3A_231 = vector.load %arg0[%get3A_227, %get3A_228, %get3A_229, %get3A_230] : memref<32x2x80x128xf32, #tpu.memory_space<vmem>>, vector<1x1x80x128xf32>
    %get3A_232 = vector.shape_cast %get3A_231 : vector<1x1x80x128xf32> to vector<80x128xf32>
    %add3A_233 = arith.addf %add3A_219, %get3A_232 : vector<80x128xf32>
    %get3A_234 = arith.constant 17 : index
    %get3A_235 = arith.constant 0 : index
    %get3A_236 = arith.constant 0 : index
    %get3A_237 = arith.constant 0 : index
    %get3A_238 = vector.load %arg0[%get3A_234, %get3A_235, %get3A_236, %get3A_237] : memref<32x2x80x128xf32, #tpu.memory_space<vmem>>, vector<1x1x80x128xf32>
    %get3A_239 = vector.shape_cast %get3A_238 : vector<1x1x80x128xf32> to vector<80x128xf32>
    %add3A_240 = arith.addf %add3A_226, %get3A_239 : vector<80x128xf32>
    %get3A_241 = arith.constant 17 : index
    %get3A_242 = arith.constant 1 : index
    %get3A_243 = arith.constant 0 : index
    %get3A_244 = arith.constant 0 : index
    %get3A_245 = vector.load %arg0[%get3A_241, %get3A_242, %get3A_243, %get3A_244] : memref<32x2x80x128xf32, #tpu.memory_space<vmem>>, vector<1x1x80x128xf32>
    %get3A_246 = vector.shape_cast %get3A_245 : vector<1x1x80x128xf32> to vector<80x128xf32>
    %add3A_247 = arith.addf %add3A_233, %get3A_246 : vector<80x128xf32>
    %get3A_248 = arith.constant 18 : index
    %get3A_249 = arith.constant 0 : index
    %get3A_250 = arith.constant 0 : index
    %get3A_251 = arith.constant 0 : index
    %get3A_252 = vector.load %arg0[%get3A_248, %get3A_249, %get3A_250, %get3A_251] : memref<32x2x80x128xf32, #tpu.memory_space<vmem>>, vector<1x1x80x128xf32>
    %get3A_253 = vector.shape_cast %get3A_252 : vector<1x1x80x128xf32> to vector<80x128xf32>
    %add3A_254 = arith.addf %add3A_240, %get3A_253 : vector<80x128xf32>
    %get3A_255 = arith.constant 18 : index
    %get3A_256 = arith.constant 1 : index
    %get3A_257 = arith.constant 0 : index
    %get3A_258 = arith.constant 0 : index
    %get3A_259 = vector.load %arg0[%get3A_255, %get3A_256, %get3A_257, %get3A_258] : memref<32x2x80x128xf32, #tpu.memory_space<vmem>>, vector<1x1x80x128xf32>
    %get3A_260 = vector.shape_cast %get3A_259 : vector<1x1x80x128xf32> to vector<80x128xf32>
    %add3A_261 = arith.addf %add3A_247, %get3A_260 : vector<80x128xf32>
    %get3A_262 = arith.constant 19 : index
    %get3A_263 = arith.constant 0 : index
    %get3A_264 = arith.constant 0 : index
    %get3A_265 = arith.constant 0 : index
    %get3A_266 = vector.load %arg0[%get3A_262, %get3A_263, %get3A_264, %get3A_265] : memref<32x2x80x128xf32, #tpu.memory_space<vmem>>, vector<1x1x80x128xf32>
    %get3A_267 = vector.shape_cast %get3A_266 : vector<1x1x80x128xf32> to vector<80x128xf32>
    %add3A_268 = arith.addf %add3A_254, %get3A_267 : vector<80x128xf32>
    %get3A_269 = arith.constant 19 : index
    %get3A_270 = arith.constant 1 : index
    %get3A_271 = arith.constant 0 : index
    %get3A_272 = arith.constant 0 : index
    %get3A_273 = vector.load %arg0[%get3A_269, %get3A_270, %get3A_271, %get3A_272] : memref<32x2x80x128xf32, #tpu.memory_space<vmem>>, vector<1x1x80x128xf32>
    %get3A_274 = vector.shape_cast %get3A_273 : vector<1x1x80x128xf32> to vector<80x128xf32>
    %add3A_275 = arith.addf %add3A_261, %get3A_274 : vector<80x128xf32>
    %get3A_276 = arith.constant 20 : index
    %get3A_277 = arith.constant 0 : index
    %get3A_278 = arith.constant 0 : index
    %get3A_279 = arith.constant 0 : index
    %get3A_280 = vector.load %arg0[%get3A_276, %get3A_277, %get3A_278, %get3A_279] : memref<32x2x80x128xf32, #tpu.memory_space<vmem>>, vector<1x1x80x128xf32>
    %get3A_281 = vector.shape_cast %get3A_280 : vector<1x1x80x128xf32> to vector<80x128xf32>
    %add3A_282 = arith.addf %add3A_268, %get3A_281 : vector<80x128xf32>
    %get3A_283 = arith.constant 20 : index
    %get3A_284 = arith.constant 1 : index
    %get3A_285 = arith.constant 0 : index
    %get3A_286 = arith.constant 0 : index
    %get3A_287 = vector.load %arg0[%get3A_283, %get3A_284, %get3A_285, %get3A_286] : memref<32x2x80x128xf32, #tpu.memory_space<vmem>>, vector<1x1x80x128xf32>
    %get3A_288 = vector.shape_cast %get3A_287 : vector<1x1x80x128xf32> to vector<80x128xf32>
    %add3A_289 = arith.addf %add3A_275, %get3A_288 : vector<80x128xf32>
    %get3A_290 = arith.constant 21 : index
    %get3A_291 = arith.constant 0 : index
    %get3A_292 = arith.constant 0 : index
    %get3A_293 = arith.constant 0 : index
    %get3A_294 = vector.load %arg0[%get3A_290, %get3A_291, %get3A_292, %get3A_293] : memref<32x2x80x128xf32, #tpu.memory_space<vmem>>, vector<1x1x80x128xf32>
    %get3A_295 = vector.shape_cast %get3A_294 : vector<1x1x80x128xf32> to vector<80x128xf32>
    %add3A_296 = arith.addf %add3A_282, %get3A_295 : vector<80x128xf32>
    %get3A_297 = arith.constant 21 : index
    %get3A_298 = arith.constant 1 : index
    %get3A_299 = arith.constant 0 : index
    %get3A_300 = arith.constant 0 : index
    %get3A_301 = vector.load %arg0[%get3A_297, %get3A_298, %get3A_299, %get3A_300] : memref<32x2x80x128xf32, #tpu.memory_space<vmem>>, vector<1x1x80x128xf32>
    %get3A_302 = vector.shape_cast %get3A_301 : vector<1x1x80x128xf32> to vector<80x128xf32>
    %add3A_303 = arith.addf %add3A_289, %get3A_302 : vector<80x128xf32>
    %get3A_304 = arith.constant 22 : index
    %get3A_305 = arith.constant 0 : index
    %get3A_306 = arith.constant 0 : index
    %get3A_307 = arith.constant 0 : index
    %get3A_308 = vector.load %arg0[%get3A_304, %get3A_305, %get3A_306, %get3A_307] : memref<32x2x80x128xf32, #tpu.memory_space<vmem>>, vector<1x1x80x128xf32>
    %get3A_309 = vector.shape_cast %get3A_308 : vector<1x1x80x128xf32> to vector<80x128xf32>
    %add3A_310 = arith.addf %add3A_296, %get3A_309 : vector<80x128xf32>
    %get3A_311 = arith.constant 22 : index
    %get3A_312 = arith.constant 1 : index
    %get3A_313 = arith.constant 0 : index
    %get3A_314 = arith.constant 0 : index
    %get3A_315 = vector.load %arg0[%get3A_311, %get3A_312, %get3A_313, %get3A_314] : memref<32x2x80x128xf32, #tpu.memory_space<vmem>>, vector<1x1x80x128xf32>
    %get3A_316 = vector.shape_cast %get3A_315 : vector<1x1x80x128xf32> to vector<80x128xf32>
    %add3A_317 = arith.addf %add3A_303, %get3A_316 : vector<80x128xf32>
    %get3A_318 = arith.constant 23 : index
    %get3A_319 = arith.constant 0 : index
    %get3A_320 = arith.constant 0 : index
    %get3A_321 = arith.constant 0 : index
    %get3A_322 = vector.load %arg0[%get3A_318, %get3A_319, %get3A_320, %get3A_321] : memref<32x2x80x128xf32, #tpu.memory_space<vmem>>, vector<1x1x80x128xf32>
    %get3A_323 = vector.shape_cast %get3A_322 : vector<1x1x80x128xf32> to vector<80x128xf32>
    %add3A_324 = arith.addf %add3A_310, %get3A_323 : vector<80x128xf32>
    %get3A_325 = arith.constant 23 : index
    %get3A_326 = arith.constant 1 : index
    %get3A_327 = arith.constant 0 : index
    %get3A_328 = arith.constant 0 : index
    %get3A_329 = vector.load %arg0[%get3A_325, %get3A_326, %get3A_327, %get3A_328] : memref<32x2x80x128xf32, #tpu.memory_space<vmem>>, vector<1x1x80x128xf32>
    %get3A_330 = vector.shape_cast %get3A_329 : vector<1x1x80x128xf32> to vector<80x128xf32>
    %add3A_331 = arith.addf %add3A_317, %get3A_330 : vector<80x128xf32>
    %get3A_332 = arith.constant 24 : index
    %get3A_333 = arith.constant 0 : index
    %get3A_334 = arith.constant 0 : index
    %get3A_335 = arith.constant 0 : index
    %get3A_336 = vector.load %arg0[%get3A_332, %get3A_333, %get3A_334, %get3A_335] : memref<32x2x80x128xf32, #tpu.memory_space<vmem>>, vector<1x1x80x128xf32>
    %get3A_337 = vector.shape_cast %get3A_336 : vector<1x1x80x128xf32> to vector<80x128xf32>
    %add3A_338 = arith.addf %add3A_324, %get3A_337 : vector<80x128xf32>
    %get3A_339 = arith.constant 24 : index
    %get3A_340 = arith.constant 1 : index
    %get3A_341 = arith.constant 0 : index
    %get3A_342 = arith.constant 0 : index
    %get3A_343 = vector.load %arg0[%get3A_339, %get3A_340, %get3A_341, %get3A_342] : memref<32x2x80x128xf32, #tpu.memory_space<vmem>>, vector<1x1x80x128xf32>
    %get3A_344 = vector.shape_cast %get3A_343 : vector<1x1x80x128xf32> to vector<80x128xf32>
    %add3A_345 = arith.addf %add3A_331, %get3A_344 : vector<80x128xf32>
    %get3A_346 = arith.constant 25 : index
    %get3A_347 = arith.constant 0 : index
    %get3A_348 = arith.constant 0 : index
    %get3A_349 = arith.constant 0 : index
    %get3A_350 = vector.load %arg0[%get3A_346, %get3A_347, %get3A_348, %get3A_349] : memref<32x2x80x128xf32, #tpu.memory_space<vmem>>, vector<1x1x80x128xf32>
    %get3A_351 = vector.shape_cast %get3A_350 : vector<1x1x80x128xf32> to vector<80x128xf32>
    %add3A_352 = arith.addf %add3A_338, %get3A_351 : vector<80x128xf32>
    %get3A_353 = arith.constant 25 : index
    %get3A_354 = arith.constant 1 : index
    %get3A_355 = arith.constant 0 : index
    %get3A_356 = arith.constant 0 : index
    %get3A_357 = vector.load %arg0[%get3A_353, %get3A_354, %get3A_355, %get3A_356] : memref<32x2x80x128xf32, #tpu.memory_space<vmem>>, vector<1x1x80x128xf32>
    %get3A_358 = vector.shape_cast %get3A_357 : vector<1x1x80x128xf32> to vector<80x128xf32>
    %add3A_359 = arith.addf %add3A_345, %get3A_358 : vector<80x128xf32>
    %get3A_360 = arith.constant 26 : index
    %get3A_361 = arith.constant 0 : index
    %get3A_362 = arith.constant 0 : index
    %get3A_363 = arith.constant 0 : index
    %get3A_364 = vector.load %arg0[%get3A_360, %get3A_361, %get3A_362, %get3A_363] : memref<32x2x80x128xf32, #tpu.memory_space<vmem>>, vector<1x1x80x128xf32>
    %get3A_365 = vector.shape_cast %get3A_364 : vector<1x1x80x128xf32> to vector<80x128xf32>
    %add3A_366 = arith.addf %add3A_352, %get3A_365 : vector<80x128xf32>
    %get3A_367 = arith.constant 26 : index
    %get3A_368 = arith.constant 1 : index
    %get3A_369 = arith.constant 0 : index
    %get3A_370 = arith.constant 0 : index
    %get3A_371 = vector.load %arg0[%get3A_367, %get3A_368, %get3A_369, %get3A_370] : memref<32x2x80x128xf32, #tpu.memory_space<vmem>>, vector<1x1x80x128xf32>
    %get3A_372 = vector.shape_cast %get3A_371 : vector<1x1x80x128xf32> to vector<80x128xf32>
    %add3A_373 = arith.addf %add3A_359, %get3A_372 : vector<80x128xf32>
    %get3A_374 = arith.constant 27 : index
    %get3A_375 = arith.constant 0 : index
    %get3A_376 = arith.constant 0 : index
    %get3A_377 = arith.constant 0 : index
    %get3A_378 = vector.load %arg0[%get3A_374, %get3A_375, %get3A_376, %get3A_377] : memref<32x2x80x128xf32, #tpu.memory_space<vmem>>, vector<1x1x80x128xf32>
    %get3A_379 = vector.shape_cast %get3A_378 : vector<1x1x80x128xf32> to vector<80x128xf32>
    %add3A_380 = arith.addf %add3A_366, %get3A_379 : vector<80x128xf32>
    %get3A_381 = arith.constant 27 : index
    %get3A_382 = arith.constant 1 : index
    %get3A_383 = arith.constant 0 : index
    %get3A_384 = arith.constant 0 : index
    %get3A_385 = vector.load %arg0[%get3A_381, %get3A_382, %get3A_383, %get3A_384] : memref<32x2x80x128xf32, #tpu.memory_space<vmem>>, vector<1x1x80x128xf32>
    %get3A_386 = vector.shape_cast %get3A_385 : vector<1x1x80x128xf32> to vector<80x128xf32>
    %add3A_387 = arith.addf %add3A_373, %get3A_386 : vector<80x128xf32>
    %get3A_388 = arith.constant 28 : index
    %get3A_389 = arith.constant 0 : index
    %get3A_390 = arith.constant 0 : index
    %get3A_391 = arith.constant 0 : index
    %get3A_392 = vector.load %arg0[%get3A_388, %get3A_389, %get3A_390, %get3A_391] : memref<32x2x80x128xf32, #tpu.memory_space<vmem>>, vector<1x1x80x128xf32>
    %get3A_393 = vector.shape_cast %get3A_392 : vector<1x1x80x128xf32> to vector<80x128xf32>
    %add3A_394 = arith.addf %add3A_380, %get3A_393 : vector<80x128xf32>
    %get3A_395 = arith.constant 28 : index
    %get3A_396 = arith.constant 1 : index
    %get3A_397 = arith.constant 0 : index
    %get3A_398 = arith.constant 0 : index
    %get3A_399 = vector.load %arg0[%get3A_395, %get3A_396, %get3A_397, %get3A_398] : memref<32x2x80x128xf32, #tpu.memory_space<vmem>>, vector<1x1x80x128xf32>
    %get3A_400 = vector.shape_cast %get3A_399 : vector<1x1x80x128xf32> to vector<80x128xf32>
    %add3A_401 = arith.addf %add3A_387, %get3A_400 : vector<80x128xf32>
    %get3A_402 = arith.constant 29 : index
    %get3A_403 = arith.constant 0 : index
    %get3A_404 = arith.constant 0 : index
    %get3A_405 = arith.constant 0 : index
    %get3A_406 = vector.load %arg0[%get3A_402, %get3A_403, %get3A_404, %get3A_405] : memref<32x2x80x128xf32, #tpu.memory_space<vmem>>, vector<1x1x80x128xf32>
    %get3A_407 = vector.shape_cast %get3A_406 : vector<1x1x80x128xf32> to vector<80x128xf32>
    %add3A_408 = arith.addf %add3A_394, %get3A_407 : vector<80x128xf32>
    %get3A_409 = arith.constant 29 : index
    %get3A_410 = arith.constant 1 : index
    %get3A_411 = arith.constant 0 : index
    %get3A_412 = arith.constant 0 : index
    %get3A_413 = vector.load %arg0[%get3A_409, %get3A_410, %get3A_411, %get3A_412] : memref<32x2x80x128xf32, #tpu.memory_space<vmem>>, vector<1x1x80x128xf32>
    %get3A_414 = vector.shape_cast %get3A_413 : vector<1x1x80x128xf32> to vector<80x128xf32>
    %add3A_415 = arith.addf %add3A_401, %get3A_414 : vector<80x128xf32>
    %get3A_416 = arith.constant 30 : index
    %get3A_417 = arith.constant 0 : index
    %get3A_418 = arith.constant 0 : index
    %get3A_419 = arith.constant 0 : index
    %get3A_420 = vector.load %arg0[%get3A_416, %get3A_417, %get3A_418, %get3A_419] : memref<32x2x80x128xf32, #tpu.memory_space<vmem>>, vector<1x1x80x128xf32>
    %get3A_421 = vector.shape_cast %get3A_420 : vector<1x1x80x128xf32> to vector<80x128xf32>
    %add3A_422 = arith.addf %add3A_408, %get3A_421 : vector<80x128xf32>
    %get3A_423 = arith.constant 30 : index
    %get3A_424 = arith.constant 1 : index
    %get3A_425 = arith.constant 0 : index
    %get3A_426 = arith.constant 0 : index
    %get3A_427 = vector.load %arg0[%get3A_423, %get3A_424, %get3A_425, %get3A_426] : memref<32x2x80x128xf32, #tpu.memory_space<vmem>>, vector<1x1x80x128xf32>
    %get3A_428 = vector.shape_cast %get3A_427 : vector<1x1x80x128xf32> to vector<80x128xf32>
    %add3A_429 = arith.addf %add3A_415, %get3A_428 : vector<80x128xf32>
    %get3A_430 = arith.constant 31 : index
    %get3A_431 = arith.constant 0 : index
    %get3A_432 = arith.constant 0 : index
    %get3A_433 = arith.constant 0 : index
    %get3A_434 = vector.load %arg0[%get3A_430, %get3A_431, %get3A_432, %get3A_433] : memref<32x2x80x128xf32, #tpu.memory_space<vmem>>, vector<1x1x80x128xf32>
    %get3A_435 = vector.shape_cast %get3A_434 : vector<1x1x80x128xf32> to vector<80x128xf32>
    %add3A_436 = arith.addf %add3A_422, %get3A_435 : vector<80x128xf32>
    %get3A_437 = arith.constant 31 : index
    %get3A_438 = arith.constant 1 : index
    %get3A_439 = arith.constant 0 : index
    %get3A_440 = arith.constant 0 : index
    %get3A_441 = vector.load %arg0[%get3A_437, %get3A_438, %get3A_439, %get3A_440] : memref<32x2x80x128xf32, #tpu.memory_space<vmem>>, vector<1x1x80x128xf32>
    %get3A_442 = vector.shape_cast %get3A_441 : vector<1x1x80x128xf32> to vector<80x128xf32>
    %add3A_443 = arith.addf %add3A_429, %get3A_442 : vector<80x128xf32>
    %broadcast_in_dim3A = arith.constant 0.000000e+00 : f32
    %broadcast_in_dim3A_444 = vector.broadcast %broadcast_in_dim3A : f32 to vector<80x1xf32>
    %slice3A = vector.extract_strided_slice %add3A_443 {offsets = [0, 0], sizes = [80, 127], strides = [1, 1]} : vector<80x128xf32> to vector<80x127xf32>
    %concatenate3A = tpu.concatenate %broadcast_in_dim3A_444, %slice3A in 1 : vector<80x1xf32>, vector<80x127xf32> -> vector<80x128xf32>
    %add3A_445 = arith.addf %add3A_443, %concatenate3A : vector<80x128xf32>
    %broadcast_in_dim3A_446 = arith.constant 0.000000e+00 : f32
    %broadcast_in_dim3A_447 = vector.broadcast %broadcast_in_dim3A_446 : f32 to vector<80x2xf32>
    %slice3A_448 = vector.extract_strided_slice %add3A_445 {offsets = [0, 0], sizes = [80, 126], strides = [1, 1]} : vector<80x128xf32> to vector<80x126xf32>
    %concatenate3A_449 = tpu.concatenate %broadcast_in_dim3A_447, %slice3A_448 in 1 : vector<80x2xf32>, vector<80x126xf32> -> vector<80x128xf32>
    %add3A_450 = arith.addf %add3A_445, %concatenate3A_449 : vector<80x128xf32>
    %broadcast_in_dim3A_451 = arith.constant 0.000000e+00 : f32
    %broadcast_in_dim3A_452 = vector.broadcast %broadcast_in_dim3A_451 : f32 to vector<80x4xf32>
    %slice3A_453 = vector.extract_strided_slice %add3A_450 {offsets = [0, 0], sizes = [80, 124], strides = [1, 1]} : vector<80x128xf32> to vector<80x124xf32>
    %concatenate3A_454 = tpu.concatenate %broadcast_in_dim3A_452, %slice3A_453 in 1 : vector<80x4xf32>, vector<80x124xf32> -> vector<80x128xf32>
    %add3A_455 = arith.addf %add3A_450, %concatenate3A_454 : vector<80x128xf32>
    %broadcast_in_dim3A_456 = arith.constant 0.000000e+00 : f32
    %broadcast_in_dim3A_457 = vector.broadcast %broadcast_in_dim3A_456 : f32 to vector<80x8xf32>
    %slice3A_458 = vector.extract_strided_slice %add3A_455 {offsets = [0, 0], sizes = [80, 120], strides = [1, 1]} : vector<80x128xf32> to vector<80x120xf32>
    %concatenate3A_459 = tpu.concatenate %broadcast_in_dim3A_457, %slice3A_458 in 1 : vector<80x8xf32>, vector<80x120xf32> -> vector<80x128xf32>
    %add3A_460 = arith.addf %add3A_455, %concatenate3A_459 : vector<80x128xf32>
    %broadcast_in_dim3A_461 = arith.constant 0.000000e+00 : f32
    %broadcast_in_dim3A_462 = vector.broadcast %broadcast_in_dim3A_461 : f32 to vector<80x16xf32>
    %slice3A_463 = vector.extract_strided_slice %add3A_460 {offsets = [0, 0], sizes = [80, 112], strides = [1, 1]} : vector<80x128xf32> to vector<80x112xf32>
    %concatenate3A_464 = tpu.concatenate %broadcast_in_dim3A_462, %slice3A_463 in 1 : vector<80x16xf32>, vector<80x112xf32> -> vector<80x128xf32>
    %add3A_465 = arith.addf %add3A_460, %concatenate3A_464 : vector<80x128xf32>
    %broadcast_in_dim3A_466 = arith.constant 0.000000e+00 : f32
    %broadcast_in_dim3A_467 = vector.broadcast %broadcast_in_dim3A_466 : f32 to vector<80x32xf32>
    %slice3A_468 = vector.extract_strided_slice %add3A_465 {offsets = [0, 0], sizes = [80, 96], strides = [1, 1]} : vector<80x128xf32> to vector<80x96xf32>
    %concatenate3A_469 = tpu.concatenate %broadcast_in_dim3A_467, %slice3A_468 in 1 : vector<80x32xf32>, vector<80x96xf32> -> vector<80x128xf32>
    %add3A_470 = arith.addf %add3A_465, %concatenate3A_469 : vector<80x128xf32>
    %broadcast_in_dim3A_471 = arith.constant 0.000000e+00 : f32
    %broadcast_in_dim3A_472 = vector.broadcast %broadcast_in_dim3A_471 : f32 to vector<80x64xf32>
    %slice3A_473 = vector.extract_strided_slice %add3A_470 {offsets = [0, 0], sizes = [80, 64], strides = [1, 1]} : vector<80x128xf32> to vector<80x64xf32>
    %concatenate3A_474 = tpu.concatenate %broadcast_in_dim3A_472, %slice3A_473 in 1 : vector<80x64xf32>, vector<80x64xf32> -> vector<80x128xf32>
    %add3A_475 = arith.addf %add3A_470, %concatenate3A_474 : vector<80x128xf32>
    %slice3A_476 = vector.extract_strided_slice %add3A_475 {offsets = [0, 127], sizes = [80, 1], strides = [1, 1]} : vector<80x128xf32> to vector<80x1xf32>
    %broadcast_in_dim3A_477 = arith.constant 0.000000e+00 : f32
    %broadcast_in_dim3A_478 = vector.broadcast %broadcast_in_dim3A_477 : f32 to vector<1x1xf32>
    %slice3A_479 = vector.extract_strided_slice %slice3A_476 {offsets = [0, 0], sizes = [79, 1], strides = [1, 1]} : vector<80x1xf32> to vector<79x1xf32>
    %concatenate3A_480 = tpu.concatenate %broadcast_in_dim3A_478, %slice3A_479 in 0 : vector<1x1xf32>, vector<79x1xf32> -> vector<80x1xf32>
    %add3A_481 = arith.addf %slice3A_476, %concatenate3A_480 : vector<80x1xf32>
    %broadcast_in_dim3A_482 = arith.constant 0.000000e+00 : f32
    %broadcast_in_dim3A_483 = vector.broadcast %broadcast_in_dim3A_482 : f32 to vector<2x1xf32>
    %slice3A_484 = vector.extract_strided_slice %add3A_481 {offsets = [0, 0], sizes = [78, 1], strides = [1, 1]} : vector<80x1xf32> to vector<78x1xf32>
    %concatenate3A_485 = tpu.concatenate %broadcast_in_dim3A_483, %slice3A_484 in 0 : vector<2x1xf32>, vector<78x1xf32> -> vector<80x1xf32>
    %add3A_486 = arith.addf %add3A_481, %concatenate3A_485 : vector<80x1xf32>
    %broadcast_in_dim3A_487 = arith.constant 0.000000e+00 : f32
    %broadcast_in_dim3A_488 = vector.broadcast %broadcast_in_dim3A_487 : f32 to vector<4x1xf32>
    %slice3A_489 = vector.extract_strided_slice %add3A_486 {offsets = [0, 0], sizes = [76, 1], strides = [1, 1]} : vector<80x1xf32> to vector<76x1xf32>
    %concatenate3A_490 = tpu.concatenate %broadcast_in_dim3A_488, %slice3A_489 in 0 : vector<4x1xf32>, vector<76x1xf32> -> vector<80x1xf32>
    %add3A_491 = arith.addf %add3A_486, %concatenate3A_490 : vector<80x1xf32>
    %broadcast_in_dim3A_492 = arith.constant 0.000000e+00 : f32
    %broadcast_in_dim3A_493 = vector.broadcast %broadcast_in_dim3A_492 : f32 to vector<8x1xf32>
    %slice3A_494 = vector.extract_strided_slice %add3A_491 {offsets = [0, 0], sizes = [72, 1], strides = [1, 1]} : vector<80x1xf32> to vector<72x1xf32>
    %concatenate3A_495 = tpu.concatenate %broadcast_in_dim3A_493, %slice3A_494 in 0 : vector<8x1xf32>, vector<72x1xf32> -> vector<80x1xf32>
    %add3A_496 = arith.addf %add3A_491, %concatenate3A_495 : vector<80x1xf32>
    %broadcast_in_dim3A_497 = arith.constant 0.000000e+00 : f32
    %broadcast_in_dim3A_498 = vector.broadcast %broadcast_in_dim3A_497 : f32 to vector<16x1xf32>
    %slice3A_499 = vector.extract_strided_slice %add3A_496 {offsets = [0, 0], sizes = [64, 1], strides = [1, 1]} : vector<80x1xf32> to vector<64x1xf32>
    %concatenate3A_500 = tpu.concatenate %broadcast_in_dim3A_498, %slice3A_499 in 0 : vector<16x1xf32>, vector<64x1xf32> -> vector<80x1xf32>
    %add3A_501 = arith.addf %add3A_496, %concatenate3A_500 : vector<80x1xf32>
    %broadcast_in_dim3A_502 = arith.constant 0.000000e+00 : f32
    %broadcast_in_dim3A_503 = vector.broadcast %broadcast_in_dim3A_502 : f32 to vector<32x1xf32>
    %slice3A_504 = vector.extract_strided_slice %add3A_501 {offsets = [0, 0], sizes = [48, 1], strides = [1, 1]} : vector<80x1xf32> to vector<48x1xf32>
    %concatenate3A_505 = tpu.concatenate %broadcast_in_dim3A_503, %slice3A_504 in 0 : vector<32x1xf32>, vector<48x1xf32> -> vector<80x1xf32>
    %add3A_506 = arith.addf %add3A_501, %concatenate3A_505 : vector<80x1xf32>
    %broadcast_in_dim3A_507 = arith.constant 0.000000e+00 : f32
    %broadcast_in_dim3A_508 = vector.broadcast %broadcast_in_dim3A_507 : f32 to vector<64x1xf32>
    %slice3A_509 = vector.extract_strided_slice %add3A_506 {offsets = [0, 0], sizes = [16, 1], strides = [1, 1]} : vector<80x1xf32> to vector<16x1xf32>
    %concatenate3A_510 = tpu.concatenate %broadcast_in_dim3A_508, %slice3A_509 in 0 : vector<64x1xf32>, vector<16x1xf32> -> vector<80x1xf32>
    %add3A_511 = arith.addf %add3A_506, %concatenate3A_510 : vector<80x1xf32>
    %sub3A = arith.subf %add3A_511, %slice3A_476 : vector<80x1xf32>
    %add3A_512 = vector.broadcast %sub3A : vector<80x1xf32> to vector<80x128xf32>
    %add3A_513 = arith.addf %add3A_475, %add3A_512 : vector<80x128xf32>
    %broadcast_in_dim3A_514 = arith.constant 0.000000e+00 : f32
    %broadcast_in_dim3A_515 = vector.broadcast %broadcast_in_dim3A_514 : f32 to vector<80x1xf32>
    %slice3A_516 = vector.extract_strided_slice %add3A_436 {offsets = [0, 0], sizes = [80, 127], strides = [1, 1]} : vector<80x128xf32> to vector<80x127xf32>
    %concatenate3A_517 = tpu.concatenate %broadcast_in_dim3A_515, %slice3A_516 in 1 : vector<80x1xf32>, vector<80x127xf32> -> vector<80x128xf32>
    %add3A_518 = arith.addf %add3A_436, %concatenate3A_517 : vector<80x128xf32>
    %broadcast_in_dim3A_519 = arith.constant 0.000000e+00 : f32
    %broadcast_in_dim3A_520 = vector.broadcast %broadcast_in_dim3A_519 : f32 to vector<80x2xf32>
    %slice3A_521 = vector.extract_strided_slice %add3A_518 {offsets = [0, 0], sizes = [80, 126], strides = [1, 1]} : vector<80x128xf32> to vector<80x126xf32>
    %concatenate3A_522 = tpu.concatenate %broadcast_in_dim3A_520, %slice3A_521 in 1 : vector<80x2xf32>, vector<80x126xf32> -> vector<80x128xf32>
    %add3A_523 = arith.addf %add3A_518, %concatenate3A_522 : vector<80x128xf32>
    %broadcast_in_dim3A_524 = arith.constant 0.000000e+00 : f32
    %broadcast_in_dim3A_525 = vector.broadcast %broadcast_in_dim3A_524 : f32 to vector<80x4xf32>
    %slice3A_526 = vector.extract_strided_slice %add3A_523 {offsets = [0, 0], sizes = [80, 124], strides = [1, 1]} : vector<80x128xf32> to vector<80x124xf32>
    %concatenate3A_527 = tpu.concatenate %broadcast_in_dim3A_525, %slice3A_526 in 1 : vector<80x4xf32>, vector<80x124xf32> -> vector<80x128xf32>
    %add3A_528 = arith.addf %add3A_523, %concatenate3A_527 : vector<80x128xf32>
    %broadcast_in_dim3A_529 = arith.constant 0.000000e+00 : f32
    %broadcast_in_dim3A_530 = vector.broadcast %broadcast_in_dim3A_529 : f32 to vector<80x8xf32>
    %slice3A_531 = vector.extract_strided_slice %add3A_528 {offsets = [0, 0], sizes = [80, 120], strides = [1, 1]} : vector<80x128xf32> to vector<80x120xf32>
    %concatenate3A_532 = tpu.concatenate %broadcast_in_dim3A_530, %slice3A_531 in 1 : vector<80x8xf32>, vector<80x120xf32> -> vector<80x128xf32>
    %add3A_533 = arith.addf %add3A_528, %concatenate3A_532 : vector<80x128xf32>
    %broadcast_in_dim3A_534 = arith.constant 0.000000e+00 : f32
    %broadcast_in_dim3A_535 = vector.broadcast %broadcast_in_dim3A_534 : f32 to vector<80x16xf32>
    %slice3A_536 = vector.extract_strided_slice %add3A_533 {offsets = [0, 0], sizes = [80, 112], strides = [1, 1]} : vector<80x128xf32> to vector<80x112xf32>
    %concatenate3A_537 = tpu.concatenate %broadcast_in_dim3A_535, %slice3A_536 in 1 : vector<80x16xf32>, vector<80x112xf32> -> vector<80x128xf32>
    %add3A_538 = arith.addf %add3A_533, %concatenate3A_537 : vector<80x128xf32>
    %broadcast_in_dim3A_539 = arith.constant 0.000000e+00 : f32
    %broadcast_in_dim3A_540 = vector.broadcast %broadcast_in_dim3A_539 : f32 to vector<80x32xf32>
    %slice3A_541 = vector.extract_strided_slice %add3A_538 {offsets = [0, 0], sizes = [80, 96], strides = [1, 1]} : vector<80x128xf32> to vector<80x96xf32>
    %concatenate3A_542 = tpu.concatenate %broadcast_in_dim3A_540, %slice3A_541 in 1 : vector<80x32xf32>, vector<80x96xf32> -> vector<80x128xf32>
    %add3A_543 = arith.addf %add3A_538, %concatenate3A_542 : vector<80x128xf32>
    %broadcast_in_dim3A_544 = arith.constant 0.000000e+00 : f32
    %broadcast_in_dim3A_545 = vector.broadcast %broadcast_in_dim3A_544 : f32 to vector<80x64xf32>
    %slice3A_546 = vector.extract_strided_slice %add3A_543 {offsets = [0, 0], sizes = [80, 64], strides = [1, 1]} : vector<80x128xf32> to vector<80x64xf32>
    %concatenate3A_547 = tpu.concatenate %broadcast_in_dim3A_545, %slice3A_546 in 1 : vector<80x64xf32>, vector<80x64xf32> -> vector<80x128xf32>
    %add3A_548 = arith.addf %add3A_543, %concatenate3A_547 : vector<80x128xf32>
    %slice3A_549 = vector.extract_strided_slice %add3A_548 {offsets = [0, 127], sizes = [80, 1], strides = [1, 1]} : vector<80x128xf32> to vector<80x1xf32>
    %broadcast_in_dim3A_550 = arith.constant 0.000000e+00 : f32
    %broadcast_in_dim3A_551 = vector.broadcast %broadcast_in_dim3A_550 : f32 to vector<1x1xf32>
    %slice3A_552 = vector.extract_strided_slice %slice3A_549 {offsets = [0, 0], sizes = [79, 1], strides = [1, 1]} : vector<80x1xf32> to vector<79x1xf32>
    %concatenate3A_553 = tpu.concatenate %broadcast_in_dim3A_551, %slice3A_552 in 0 : vector<1x1xf32>, vector<79x1xf32> -> vector<80x1xf32>
    %add3A_554 = arith.addf %slice3A_549, %concatenate3A_553 : vector<80x1xf32>
    %broadcast_in_dim3A_555 = arith.constant 0.000000e+00 : f32
    %broadcast_in_dim3A_556 = vector.broadcast %broadcast_in_dim3A_555 : f32 to vector<2x1xf32>
    %slice3A_557 = vector.extract_strided_slice %add3A_554 {offsets = [0, 0], sizes = [78, 1], strides = [1, 1]} : vector<80x1xf32> to vector<78x1xf32>
    %concatenate3A_558 = tpu.concatenate %broadcast_in_dim3A_556, %slice3A_557 in 0 : vector<2x1xf32>, vector<78x1xf32> -> vector<80x1xf32>
    %add3A_559 = arith.addf %add3A_554, %concatenate3A_558 : vector<80x1xf32>
    %broadcast_in_dim3A_560 = arith.constant 0.000000e+00 : f32
    %broadcast_in_dim3A_561 = vector.broadcast %broadcast_in_dim3A_560 : f32 to vector<4x1xf32>
    %slice3A_562 = vector.extract_strided_slice %add3A_559 {offsets = [0, 0], sizes = [76, 1], strides = [1, 1]} : vector<80x1xf32> to vector<76x1xf32>
    %concatenate3A_563 = tpu.concatenate %broadcast_in_dim3A_561, %slice3A_562 in 0 : vector<4x1xf32>, vector<76x1xf32> -> vector<80x1xf32>
    %add3A_564 = arith.addf %add3A_559, %concatenate3A_563 : vector<80x1xf32>
    %broadcast_in_dim3A_565 = arith.constant 0.000000e+00 : f32
    %broadcast_in_dim3A_566 = vector.broadcast %broadcast_in_dim3A_565 : f32 to vector<8x1xf32>
    %slice3A_567 = vector.extract_strided_slice %add3A_564 {offsets = [0, 0], sizes = [72, 1], strides = [1, 1]} : vector<80x1xf32> to vector<72x1xf32>
    %concatenate3A_568 = tpu.concatenate %broadcast_in_dim3A_566, %slice3A_567 in 0 : vector<8x1xf32>, vector<72x1xf32> -> vector<80x1xf32>
    %add3A_569 = arith.addf %add3A_564, %concatenate3A_568 : vector<80x1xf32>
    %broadcast_in_dim3A_570 = arith.constant 0.000000e+00 : f32
    %broadcast_in_dim3A_571 = vector.broadcast %broadcast_in_dim3A_570 : f32 to vector<16x1xf32>
    %slice3A_572 = vector.extract_strided_slice %add3A_569 {offsets = [0, 0], sizes = [64, 1], strides = [1, 1]} : vector<80x1xf32> to vector<64x1xf32>
    %concatenate3A_573 = tpu.concatenate %broadcast_in_dim3A_571, %slice3A_572 in 0 : vector<16x1xf32>, vector<64x1xf32> -> vector<80x1xf32>
    %add3A_574 = arith.addf %add3A_569, %concatenate3A_573 : vector<80x1xf32>
    %broadcast_in_dim3A_575 = arith.constant 0.000000e+00 : f32
    %broadcast_in_dim3A_576 = vector.broadcast %broadcast_in_dim3A_575 : f32 to vector<32x1xf32>
    %slice3A_577 = vector.extract_strided_slice %add3A_574 {offsets = [0, 0], sizes = [48, 1], strides = [1, 1]} : vector<80x1xf32> to vector<48x1xf32>
    %concatenate3A_578 = tpu.concatenate %broadcast_in_dim3A_576, %slice3A_577 in 0 : vector<32x1xf32>, vector<48x1xf32> -> vector<80x1xf32>
    %add3A_579 = arith.addf %add3A_574, %concatenate3A_578 : vector<80x1xf32>
    %broadcast_in_dim3A_580 = arith.constant 0.000000e+00 : f32
    %broadcast_in_dim3A_581 = vector.broadcast %broadcast_in_dim3A_580 : f32 to vector<64x1xf32>
    %slice3A_582 = vector.extract_strided_slice %add3A_579 {offsets = [0, 0], sizes = [16, 1], strides = [1, 1]} : vector<80x1xf32> to vector<16x1xf32>
    %concatenate3A_583 = tpu.concatenate %broadcast_in_dim3A_581, %slice3A_582 in 0 : vector<64x1xf32>, vector<16x1xf32> -> vector<80x1xf32>
    %add3A_584 = arith.addf %add3A_579, %concatenate3A_583 : vector<80x1xf32>
    %sub3A_585 = arith.subf %add3A_584, %slice3A_549 : vector<80x1xf32>
    %add3A_586 = vector.broadcast %sub3A_585 : vector<80x1xf32> to vector<80x128xf32>
    %add3A_587 = arith.addf %add3A_548, %add3A_586 : vector<80x128xf32>
    %reduce_sum3A = vector.shape_cast %add3A_443 : vector<80x128xf32> to vector<1x80x128xf32>
    %reduce_sum3A_588 = arith.constant dense<0.000000e+00> : vector<1xf32>
    %reduce_sum3A_589 = vector.multi_reduction <add>, %reduce_sum3A, %reduce_sum3A_588 [1, 2] : vector<1x80x128xf32> to vector<1xf32>
    %reduce_sum3A_590 = vector.shape_cast %reduce_sum3A_589 : vector<1xf32> to vector<1x1x1xf32>
    %reduce_sum3A_591 = vector.extract %reduce_sum3A_590[0, 0, 0] : f32 from vector<1x1x1xf32>
    %reduce_sum3A_592 = vector.shape_cast %add3A_436 : vector<80x128xf32> to vector<1x80x128xf32>
    %reduce_sum3A_593 = arith.constant dense<0.000000e+00> : vector<1xf32>
    %reduce_sum3A_594 = vector.multi_reduction <add>, %reduce_sum3A_592, %reduce_sum3A_593 [1, 2] : vector<1x80x128xf32> to vector<1xf32>
    %reduce_sum3A_595 = vector.shape_cast %reduce_sum3A_594 : vector<1xf32> to vector<1x1x1xf32>
    %reduce_sum3A_596 = vector.extract %reduce_sum3A_595[0, 0, 0] : f32 from vector<1x1x1xf32>
    %div3A = vector.broadcast %reduce_sum3A_591 : f32 to vector<80x128xf32>
    %div3A_597 = arith.divf %add3A_513, %div3A : vector<80x128xf32>
    %div3A_598 = vector.broadcast %reduce_sum3A_596 : f32 to vector<80x128xf32>
    %div3A_599 = arith.divf %add3A_587, %div3A_598 : vector<80x128xf32>
    %sub3A_600 = arith.subf %div3A_597, %div3A_599 : vector<80x128xf32>
    %abs3A = math.absf %sub3A_600 : vector<80x128xf32>
    %reduce_max3A = vector.shape_cast %abs3A : vector<80x128xf32> to vector<1x80x128xf32>
    %reduce_max3A_601 = arith.constant dense<0xFF800000> : vector<1xf32>
    %reduce_max3A_602 = vector.multi_reduction <maximumf>, %reduce_max3A, %reduce_max3A_601 [1, 2] : vector<1x80x128xf32> to vector<1xf32>
    %reduce_max3A_603 = vector.shape_cast %reduce_max3A_602 : vector<1xf32> to vector<1x1x1xf32>
    %reduce_max3A_604 = vector.extract %reduce_max3A_603[0, 0, 0] : f32 from vector<1x1x1xf32>
    %broadcast_in_dim3A_605 = vector.broadcast %reduce_max3A_604 : f32 to vector<1x1xf32>
    %swap3A = arith.constant 0 : index
    %swap3A_606 = arith.constant 0 : index
    %swap3A_607 = vector.load %arg1[%swap3A, %swap3A_606] : memref<1x1xf32, #tpu.memory_space<vmem>>, vector<1x1xf32>
    tpu.vector_store %arg1[%swap3A, %swap3A_606], %broadcast_in_dim3A_605 {strides = array<i32>} : memref<1x1xf32, #tpu.memory_space<vmem>>, vector<1x1xf32>,
    return
  }
}

</mosaic_0001>

<sc_bundles>
// kernel: kernel.4.cloned.1.call-start
scs
__scs_entry_jumppad:
0x0: {  	(pc) =	sbr.rel $0x88, $3  }
0x1: {  	(tag) =	ssettag $0x0;
	lr =	simm.s32 $0x1  }
0x2: {  	[smem:$0x3F9F] =	sst lr;
	_ =	strace $0xD0000000  }
0x3: {  	_ = 	snop  }
0x4: {  	_ = 	snop  }
0x5: {  	_ = 	snop  }
0x6: {  	_ = 	snop  }
0x7: {  	_ = 	snop  }
__scs_overlays_trampoline_lowered:
0x8: {  	[smem:$0x3FAE] =	sst s0  }
0x9: {  	[smem:$0x3FAF] =	sst s1  }
0xa: {  	[smem:$0x3FB0] =	sst s2  }
0xb: {  	[smem:$0x3FB1] =	sst s3  }
0xc: {  	[smem:$0x3FB2] =	sst s4  }
0xd: {  	[smem:$0x3FB3] =	sst s5  }
0xe: {  	[smem:$0x3FB4] =	sst s6  }
0xf: {  	[smem:$0x3FB5] =	sst s7  }
0x10: {  	[smem:$0x3FB6] =	sst s8  }
0x11: {  	[smem:$0x3FB7] =	sst s9;
	s0 =	simm.s32 @!p0 $0x0  }
0x12: {  	s1 =	sld [smem:$0x3F9D];
	s0 =	simm.s32 @p0 $0x1  }
0x13: {  	[smem:$0x3FB8] =	sst s0;
	s0 =	simm.s32 @!p1 $0x0  }
0x14: {  	s2 =	sld [smem:$0x3F9C];
	s0 =	simm.s32 @p1 $0x1  }
0x15: {  	[smem:$0x3FB9] =	sst s0;
	s0 =	simm.s32 @!p2 $0x0  }
0x16: {  	s3 =	sld [smem:$0x3FDB];
	s0 =	simm.s32 @p2 $0x1  }
0x17: {  	s4 =	simm.s32 $0x1BF5;
	[smem:$0x3FBB] =	sst s0  }
0x18: {  	s0 =	sld [smem:$0x3F9E];
	_ =	swait.ge [sflag:s4], $0x0  }
0x19: {  	s7 =	sld [smem:$0x3F9F]  }
0x1a: {  	s8 =	sadd.s32 $0xFFFFE003, lr  }
0x1b: {  	s9 =	sadd.s32 $0xFFFFFEF7, lr;
	s5 =	simm.s32 $0xFFFFFFFF;
	p2 =	slt.u32 s8, $0xFFFFF086  }
0x1c: {  	p1 =	slt.u32 s9, $0xF7A;
	s5 =	simm.s32 @!p2 $0x0  }
0x1d: {  	s5 =	simm.s32 @p1 $0x1;
	p0 =	seq.s32 s7, s2  }
0x1e: {  	s7 =	smul.u32 @!p0 $0xF7A, s2;
	p2 =	seq.s32 @!p0 s5, $0x0  }
0x1f: {  	s9 =	smul.u32 $0xF7A, s1;
	s8 =	simm.s32 @!p0 $0x1BF5;
	p2 =	por !p2, p0  }
0x20: {  	[sflag:s8] =	ssyncset.s32 @!p0 $0xFFFFF086;
	s6 =	sadd.s32 @!p0 s3, s7;
	s7 =	simm.s32 @!p0 $0x108  }
0x21: {  	s3 =	sadd.s32 s3, s9;
	s6 =	sadd.s32 @!p0 $0x88, s6;
	s7 =	simm.s32 @p2 $0x1082  }
0x22: {  	[simem:s7], [sflag:s8] =	dma.local @!p0 [hbm:s6], $0xF7A  }
0x23: {  	s9 =	sor.u32 $0xD0000000, s2;
	s6 =	simm.s32 $0x108;
	_ =	swait.ge @!p0 [sflag:s8], $0x0  }
0x24: {  	s3 =	sadd.s32 $0x88, s3;
	s6 =	simm.s32 @!p1 $0x1082;
	[sflag:s4] =	ssyncset.s32 $0xFFFFF086  }
0x25: {  	[simem:s6], [sflag:s4] =	dma.local [hbm:s3], $0xF7A  }
0x26: {  	[smem:$0x3F9F] =	sst s1;
	(tag) =	ssettag s2;
	_ =	strace s9  }
0x27: {  	s1 =	sld [smem:$0x3FAF]  }
0x28: {  	s2 =	sld [smem:$0x3FB0]  }
0x29: {  	s4 =	sld [smem:$0x3FB2]  }
0x2a: {  	p0 =	seq.s32 s5, $0x0;
	s5 =	sld [smem:$0x3FB3]  }
0x2b: {  	s6 =	sld [smem:$0x3FB4]  }
0x2c: {  	s7 =	sld [smem:$0x3FB5]  }
0x2d: {  	s3 =	simm.s32 $0x108;
	s8 =	sld [smem:$0x3FB6]  }
0x2e: {  	s3 =	simm.s32 @!p0 $0x1082;
	s9 =	sld [smem:$0x3FB7]  }
0x2f: {  	lr =	sadd.s32 s0, s3;
	s0 =	sld [smem:$0x3FAE]  }
0x30: {  	s3 =	sld [smem:$0x3FB1]  }
0x31: {  	[smem:$0x3FBA] =	sst s10  }
0x32: {  	s10 =	sld [smem:$0x3FB8];
	_ =	sdelay $0x3  }
0x33: {  	p0 =	seq.s32 s10, $0x1;
	s10 =	sld [smem:$0x3FBA];
	_ =	sdelay $0x3  }
0x34: {  	[smem:$0x3FBA] =	sst s10  }
0x35: {  	s10 =	sld [smem:$0x3FB9];
	_ =	sdelay $0x3  }
0x36: {  	p1 =	seq.s32 s10, $0x1;
	s10 =	sld [smem:$0x3FBA];
	_ =	sdelay $0x3  }
0x37: {  	[smem:$0x3FBA] =	sst s10  }
0x38: {  	s10 =	sld [smem:$0x3FBB]  }
0x39: {  	_ = 	snop;
	(pc) =	sbr.ind lr, $3  }
0x3a: {  	_ = 	snop  }
0x3b: {  	_ = 	snop  }
0x3c: {  	p2 =	seq.s32 s10, $0x1;
	s10 =	sld [smem:$0x3FBA]  }
0x3d: {  	_ =	shalt  }
0x3e: {  	_ =	shalt  }
0x3f: {  	_ =	shalt  }
0x40: {  	_ =	shalt  }
0x41: {  	_ =	shalt  }
0x42: {  	_ =	shalt  }
0x43: {  	_ =	shalt  }
0x44: {  	_ =	shalt  }
0x45: {  	_ =	shalt  }
0x46: {  	_ =	shalt  }
0x47: {  	_ =	shalt  }
0x48: {  	_ =	shalt  }
0x49: {  	_ =	shalt  }
0x4a: {  	_ =	shalt  }
0x4b: {  	_ =	shalt  }
0x4c: {  	_ =	shalt  }
0x4d: {  	_ =	shalt  }
0x4e: {  	_ =	shalt  }
0x4f: {  	_ =	shalt  }
0x50: {  	_ =	shalt  }
0x51: {  	_ =	shalt  }
0x52: {  	_ =	shalt  }
0x53: {  	_ =	shalt  }
0x54: {  	_ =	shalt  }
0x55: {  	_ =	shalt  }
0x56: {  	_ =	shalt  }
0x57: {  	_ =	shalt  }
0x58: {  	_ =	shalt  }
0x59: {  	_ =	shalt  }
0x5a: {  	_ =	shalt  }
0x5b: {  	_ =	shalt  }
0x5c: {  	_ =	shalt  }
0x5d: {  	_ =	shalt  }
0x5e: {  	_ =	shalt  }
0x5f: {  	_ =	shalt  }
0x60: {  	_ =	shalt  }
0x61: {  	_ =	shalt  }
0x62: {  	_ =	shalt  }
0x63: {  	_ =	shalt  }
0x64: {  	_ =	shalt  }
0x65: {  	_ =	shalt  }
0x66: {  	_ =	shalt  }
0x67: {  	_ =	shalt  }
0x68: {  	_ =	shalt  }
0x69: {  	_ =	shalt  }
0x6a: {  	_ =	shalt  }
0x6b: {  	_ =	shalt  }
0x6c: {  	_ =	shalt  }
0x6d: {  	_ =	shalt  }
0x6e: {  	_ =	shalt  }
0x6f: {  	_ =	shalt  }
0x70: {  	_ =	shalt  }
0x71: {  	_ =	shalt  }
0x72: {  	_ =	shalt  }
0x73: {  	_ =	shalt  }
0x74: {  	_ =	shalt  }
0x75: {  	_ =	shalt  }
0x76: {  	_ =	shalt  }
0x77: {  	_ =	shalt  }
0x78: {  	_ =	shalt  }
0x79: {  	_ =	shalt  }
0x7a: {  	_ =	shalt  }
0x7b: {  	_ =	shalt  }
0x7c: {  	_ =	shalt  }
0x7d: {  	_ =	shalt  }
0x7e: {  	_ =	shalt  }
0x7f: {  	_ =	shalt  }
0x80: {  	_ =	shalt  }
0x81: {  	_ =	shalt  }
0x82: {  	_ =	shalt  }
0x83: {  	_ =	shalt  }
0x84: {  	_ =	shalt  }
0x85: {  	_ =	shalt  }
0x86: {  	_ =	shalt  }
0x87: {  	_ =	shalt  }
.Lfunc_end0:
.L_simem_size_0:
called_computation_lowered:
.L_overlay_start_0:
0x88: {  	s2 =	sld [smem:$0x3FD9]  }
0x89: {  	s3 =	sld [smem:$0x3FFE];
	_ =	sdelay $0x1  }
0x8a: {  	s1 =	srdreg.scid  }
0x8b: {  	s0 =	sand.u32 $0x1, s1  }
0x8c: {  	s17 =	sshll.u32 s0, $0xA;
	s2 =	sadd.s32 s3, s2  }
0x8d: {  	s2 =	sadd.s32 s2, s17  }
0x8e: {  	[smem:$0x3FC6] =	sst s2  }
0x8f: {  	_ = 	snop  }
0x90: {  	s2 =	sld [smem:$0x3FC9]  }
0x91: {  	s18 =	sld [smem:$0x3FC8];
	(tm) =	ssettm $0x1  }
0x92: {  	s4 =	sld [smem:$0x3FFB];
	_ =	sdelay $0x3  }
0x93: {  	_ =	strace s4  }
0x94: {  	s4 =	sld [smem:$0x3FFC];
	_ =	sdelay $0x3  }
0x95: {  	_ =	strace s4  }
0x96: {  	s4 =	sld [smem:$0x3FFD];
	_ =	sdelay $0x3  }
0x97: {  	_ =	strace s4  }
0x98: {  	_ =	strace $0x8FFFFFFF  }
0x99: {  	s19 =	sld [smem:$0x3FDB];
	_ =	sdelay $0x1  }
0x9a: {  	s5 =	simm.s32 $_scs_section_size  }
0x9b: {  	s6 =	simm.s32 $_size__tile_overlayer_lowered;
	s7 =	simm.s32 $_tile_overlayer_lowered  }
0x9c: {  	s22 =	simm.s32 $0x1BFF;
	s21 =	sshll.u32 s7, $0x1;
	s4 =	sadd.s32 s5, s19  }
0x9d: {  	s8 =	simm.s32 $0x0;
	s20 =	sshll.u32 s6, $0x1;
	s6 =	sadd.s32 s21, s4  }
0x9e: {  	[timem:s8], [sflag:s22] =	dma.local [hbm:s6], s20  }
0x9f: {  	_ =	swait.ge [sflag:s22], s20  }
0xa0: {  	s5 =	ssub.s32 $0x0, s20;
	[sflag:s22] =	ssyncset.done $0x0  }
0xa1: {  	[sflag:s22] =	ssyncadd.s32 s5;
	_ =	sdelay $0x1  }
0xa2: {  	s23 =	simm.s32 $0x1B8B  }
0xa3: {  	_ =	swait.ge [sflag:s23], $0x1  }
0xa4: {  	[sflag:s23] =	ssyncset.done $0x0  }
0xa5: {  	s25 =	simm.s32 $0x1B8E;
	s24 =	sld [smem:$0x3FFE];
	[sflag:s23] =	ssyncadd.s32 $0xFFFFFFFF  }
0xa6: {  	s26 =	simm.s32 $execute0_lowered;
	[smem:$0x3FD2] =	sst s25  }
0xa7: {  	s6 =	sshll.u32 s26, $0x1;
	_ =	strace $0x80000046;
	[dreg:$0x1] =	wrdreg $0xFFFFFFFF  }
0xa8: {  	s28 =	simm.s32 $_size_execute0_lowered;
	s4 =	sadd.s32 s4, s6;
	[dreg:$0x0] =	wrdreg $0x0  }
0xa9: {  	s6 =	sshll.u32 s28, $0x1;
	[dreg:$0x2] =	wrdreg s4  }
0xaa: {  	[dreg:$0x3] =	wrdreg s6  }
0xab: {  	[dreg:$0x4] =	wrdreg $0xC0  }
0xac: {  	_ =	task [dreg:s8], $0x5FFFF  }
0xad: {  	[dreg:$0x1] =	wrdreg $0xFFFFFFFF  }
0xae: {  	[dreg:$0x0] =	wrdreg $0x60  }
0xaf: {  	[dreg:$0x2] =	wrdreg s2  }
0xb0: {  	[dreg:$0x3] =	wrdreg s18  }
0xb1: {  	[dreg:$0x4] =	wrdreg s24  }
0xb2: {  	[dreg:$0x5] =	wrdreg $0x9  }
0xb3: {  	_ =	task.clear_ibuf [dreg:s8], $0x6FFFF;
	_ =	strace $0x90000046  }
0xb4: {  	s29 =	simm.s32 $0x9;
	_ =	strace $0x80000048  }
0xb5: {  	_ =	swait.ge [sflag:s29], $0x1  }
0xb6: {  	[sflag:s29] =	ssyncadd.s32 $0xFFFFFFFF  }
0xb7: {  	_ =	strace $0x90000048  }
0xb8: {  	_ =	sfence  }
0xb9: {  	s30 =	sld [smem:$0x0];
	_ =	sdelay $0x2  }
0xba: {  	s31 =	sshll.u32 s1, $0xD;
	s1 =	sshrl.u32 s1, $0x2  }
0xbb: {  	s3 =	sand.u32 $0x4000, s31;
	s1 =	sadd.s32 s1, s30  }
0xbc: {  	s0 =	sor.u32 s3, s0;
	s1 =	sshll.u32 s1, $0x11  }
0xbd: {  	s0 =	sor.u32 s1, s0  }
0xbe: {  	s0 =	sadd.s32 $0x8F2B, s0  }
0xbf: {  	[sflag:s0] =	ssyncadd.remote.s32 $0x1  }
0xc0: {  	_ =	sfence.sel $0xFFFF  }
0xc1: {  	[dreg:$0x0] =	wrdreg $0xFFFFFFFF;
	(pc) =	sbr.abs _section_cstart, $3  }
0xc2: {  	[dreg:$0x1] =	wrdreg $0xFFFFFFFF  }
0xc3: {  	_ =	task.clear_ibuf [dreg:s8], $0x2FFFF;
	_ =	strace $0x9FFFFFFF  }
0xc4: {  	(tm) =	ssettm $0x7FFFFFFF  }
0xc5: {  	_ =	shalt  }
tec
execute0_lowered:
.L_overlay_start_1:
0x0: {  	(tag) =	ssettag $0x1  }
0x1: {  	s1 =	srdreg.scid;
	s3 =	rddreg [dreg:$0x1]  }
0x2: {  	s0 =	stileid.u32;
	s8 =	rddreg [dreg:$0x2]  }
0x3: {  	s4 =	simm.s32 $0x0;
	s13 =	simm.s32 $0x4000;
	s14 =	simm.s32 $0x2000  }
0x4: {  	s15 =	simm.s32 $0x6000;
	s16 =	simm.s32 $0x1;
	s17 =	simm.s32 $0x3  }
0x5: {  	s18 =	simm.s32 $0x8000;
	s19 =	simm.s32 $0x2;
	s20 =	simm.s32 $0x4  }
0x6: {  	s21 =	simm.s32 $0x80;
	s22 =	simm.s32 $0x400;
	s23 =	simm.s32 $0x5  }
0x7: {  	s24 =	simm.s32 $0x0;
	s5 =	sand.u32 $0x1, s1;
	s1 =	rddreg [dreg:$0x0]  }
0x8: {  	s2 =	sshll.u32 s0, $0x1;
	s26 =	sshrl.u32 s0, $0x2;
	[smem:$0x7FF] =	sst s4  }
0x9: {  	s6 =	sor.u32 s5, s2;
	s7 =	smul.u32 $0x28000, s26;
	s2 =	rddreg [dreg:$0x3]  }
0xa: {  	s5 =	ssub.s32 $0x2, s5;
	_ =	strace $0x80000047;
	s28 =	sshll.u32 s6, $0x7  }
0xb: {  	s29 =	sshrl.u32 s5, $0x1;
	s10 =	sshll.u32 s6, $0x11;
	s30 =	sshll.u32 s6, $0xE  }
.Ltmp0:
0xc: {  	s9 =	sand.u32 $0x380, s28;
	s12 =	ssub.s32 s5, s29;
	(pc) =	sbr.rel .LBB2_1-.Ltmp0, $4  }
0xd: {  	s5 =	sadd.s32 s1, s30;
	s6 =	sadd.s32 s3, s30;
	s7 =	sor.u32 s7, s9  }
0xe: {  	s31 =	sor.u32 $0x400, s30;
	s9 =	sor.u32 $0x4000, s10;
	s7 =	sshrl.u32 s7, $0x3  }
0xf: {  	s10 =	sor.u32 $0x6000, s10;
	s12 =	smax.u32 s12, $0x1;
	s11 =	sadd.s32 s7, s8  }
0x10: {  	v0 =	vimm.f32 $0.0e+00;
	v1 =	vimm.f32 $1.000000000e+00;
	v2 =	vimm.s32 $0x0;
	s7 =	sadd.s32 s1, s31;
	s8 =	sadd.s32 s3, s31;
	s11 =	sadd.s32 $0x400, s11  }
.LBB2_10:
0x11: {  	s24 =	sadd.s32 $0x1, s24  }
0x12: {  	p0 =	sne.s32 s24, s12  }
.Ltmp1:
0x13: {  	_ = 	snop;
	(pc) =	sbr.rel @!p0 .LBB2_11-.Ltmp1, $4  }
0x14: {  	[hbm4b:s11+s21] =	stream.strided.scatter [tilespmem:s18], [sflag:$0x5], $0x5000, s22, s21, $0x38;
	[tilespmem:$0xD000] =	vst v63  }
0x15: {  	_ =	swait.ge [sflag:s23], $0x5000  }
0x16: {  	[sflag:s23] =	ssyncset.done $0x0  }
0x17: {  	[sflag:s23] =	ssyncadd.s32 $0xFFFFB000  }
.LBB2_1:
0x18: {  	[tilespmem:s4], [sflag:$0x1] =	stream.linear.gather [hbm4b:s5+s4], $0x2000, $0x38;
	[tilespmem:$0xD000] =	vst v63  }
0x19: {  	_ = 	snop  }
0x1a: {  	[tilespmem:s13], [sflag:$0x3] =	stream.linear.gather [hbm4b:s6+s4], $0x2000, $0x38;
	[tilespmem:$0xD000] =	vst v63  }
0x1b: {  	_ = 	snop  }
0x1c: {  	[tilespmem:s14], [sflag:$0x2] =	stream.linear.gather [hbm4b:s7+s4], $0x2000, $0x38;
	[tilespmem:$0xD000] =	vst v63  }
0x1d: {  	s25 =	simm.s32 $0x8040  }
0x1e: {  	[tilespmem:s15], [sflag:$0x4] =	stream.linear.gather [hbm4b:s8+s4], $0x2000, $0x38;
	[tilespmem:$0xD000] =	vst v63  }
0x1f: {  	[tilespmem:s25+$0xFFFFFFC0] =	vst v0  }
0x20: {  	[tilespmem:s25+$0x30] =	vst v0  }
0x21: {  	[tilespmem:s25+$0x20] =	vst v0  }
0x22: {  	[tilespmem:s25+$0x10] =	vst v0  }
0x23: {  	[tilespmem:s25+$0x0] =	vst v0  }
0x24: {  	[tilespmem:s25+$0xFFFFFFF0] =	vst v0  }
0x25: {  	s26 =	simm.s32 $0x0;
	[tilespmem:s25+$0xFFFFFFE0] =	vst v0  }
.LBB2_2:
0x26: {  	s26 =	sadd.s32 $0x8, s26;
	[tilespmem:s25+$0xFFFFFFD0] =	vst v0;
	s25 =	sadd.s32 $0x80, s25  }
0x27: {  	[tilespmem:s25+$0xFFFFFFC0] =	vst v0;
	p0 =	slt.u32 s26, $0x4F8  }
0x28: {  	[tilespmem:s25+$0x30] =	vst v0  }
.Ltmp2:
0x29: {  	[tilespmem:s25+$0x20] =	vst v0;
	(pc) =	sbr.rel @p0 .LBB2_2-.Ltmp2, $4  }
0x2a: {  	[tilespmem:s25+$0x10] =	vst v0  }
0x2b: {  	[tilespmem:s25+$0x0] =	vst v0  }
0x2c: {  	[tilespmem:s25+$0xFFFFFFF0] =	vst v0  }
0x2d: {  	[tilespmem:s25+$0xFFFFFFE0] =	vst v0  }
0x2e: {  	[tilespmem:s25+$0xFFFFFFD0] =	vst v0;
	s25 =	simm.s32 $0x0  }
.LBB2_4:
0x2f: {  	_ =	swait.ge [sflag:s16], $0x2000  }
0x30: {  	[sflag:s16] =	ssyncset.done $0x0  }
0x31: {  	[sflag:s16] =	ssyncadd.s32 $0xFFFFE000  }
0x32: {  	_ =	swait.ge [sflag:s17], $0x2000  }
0x33: {  	[sflag:s17] =	ssyncset.done $0x0  }
0x34: {  	s26 =	simm.s32 $0x80;
	[sflag:s17] =	ssyncadd.s32 $0xFFFFE000  }
0x35: {  	v3 =	vld [tilespmem:s26+$0x70]  }
0x36: {  	v4 =	vld [tilespmem:s26+$0xFFFFFF90]  }
0x37: {  	v5 =	vld [tilespmem:s26+$0xFFFFFFA0]  }
0x38: {  	v6 =	vld [tilespmem:s26+$0xFFFFFFB0]  }
0x39: {  	v8 =	vld [tilespmem:s26+$0xFFFFFFD0]  }
0x3a: {  	v7 =	vld [tilespmem:s26+$0xFFFFFFC0]  }
0x3b: {  	v9 =	vld [tilespmem:s26+$0xFFFFFFE0];
	v3 =	vsub.f32 $0.0e+00, v3  }
0x3c: {  	v10 =	vld [tilespmem:s26+$0xFFFFFFF0];
	v4 =	vsub.f32 $0.0e+00, v4  }
0x3d: {  	v11 =	vld [tilespmem:s26+$0x0];
	v5 =	vsub.f32 $0.0e+00, v5;
	v3 =	vmul.f32 $1.442695020e+00, v3  }
0x3e: {  	v6 =	vsub.f32 $0.0e+00, v6;
	v8 =	vsub.f32 $0.0e+00, v8;
	v4 =	vmul.f32 $1.442695020e+00, v4  }
0x3f: {  	(erf) = vpow2.f32 v3;
	v3 =	vmul.f32 $1.442695020e+00, v5;
	v5 =	vsub.f32 $0.0e+00, v7  }
0x40: {  	v6 =	vmul.f32 $1.442695020e+00, v6;
	v8 =	vmul.f32 $1.442695020e+00, v8;
	v7 =	vld [tilespmem:s26+$0x10]  }
0x41: {  	v12 =	vld [tilespmem:s26+$0x20];
	(erf) = vpow2.f32 v4;
	v4 =	vmul.f32 $1.442695020e+00, v5;
	v5 =	vsub.f32 $0.0e+00, v9  }
0x42: {  	(erf) = vpow2.f32 v3;
	v9 =	vsub.f32 $0.0e+00, v10;
	v10 =	vsub.f32 $0.0e+00, v11  }
0x43: {  	v3 =	vld [tilespmem:s26+$0x30];
	(erf) = vpow2.f32 v6;
	v5 =	vmul.f32 $1.442695020e+00, v5  }
0x44: {  	v6 =	vld [tilespmem:s26+$0x40];
	(erf) = vpow2.f32 v4;
	v10 =	vmul.f32 $1.442695020e+00, v10  }
0x45: {  	v4 =	vmul.f32 $1.442695020e+00, v9;
	v9 =	vld [tilespmem:s26+$0x50];
	v7 =	vsub.f32 $0.0e+00, v7;
	(erf) = vpow2.f32 v8  }
0x46: {  	v11 =	vsub.f32 $0.0e+00, v12;
	v8 =	vld [tilespmem:s26+$0xFFFFFF80];
	(erf) = vpow2.f32 v5  }
0x47: {  	v7 =	vmul.f32 $1.442695020e+00, v7;
	(erf) = vpow2.f32 v4  }
0x48: {  	v5 =	vld [tilespmem:s26+$0x60];
	v3 =	vsub.f32 $0.0e+00, v3;
	v4 =	vmul.f32 $1.442695020e+00, v11;
	(erf) = vpow2.f32 v10;
	v10 =	vpop (erf)  }
0x49: {  	v6 =	vsub.f32 $0.0e+00, v6;
	(erf) = vpow2.f32 v7;
	v7 =	vadd.f32 $1.000000000e+00, v10  }
0x4a: {  	v10 =	vpop (erf);
	(erf) = vpow2.f32 v4;
	v4 =	vsub.f32 $0.0e+00, v9  }
0x4b: {  	v3 =	vmul.f32 $1.442695020e+00, v3;
	v8 =	vsub.f32 $0.0e+00, v8;
	v6 =	vmul.f32 $1.442695020e+00, v6  }
0x4c: {  	v9 =	vpop (erf);
	(erf) = vrcp.f32 v7  }
0x4d: {  	v5 =	vsub.f32 $0.0e+00, v5;
	v8 =	vmul.f32 $1.442695020e+00, v8;
	v7 =	vpop (erf);
	(erf) = vpow2.f32 v3  }
0x4e: {  	v3 =	vmul.f32 $1.442695020e+00, v4;
	v4 =	vpop (erf);
	(erf) = vpow2.f32 v6  }
0x4f: {  	v5 =	vmul.f32 $1.442695020e+00, v5;
	v6 =	vpop (erf);
	(erf) = vpow2.f32 v8  }
0x50: {  	v8 =	vadd.f32 $1.000000000e+00, v10;
	v10 =	vpop (erf);
	(erf) = vpow2.f32 v3  }
0x51: {  	v3 =	vadd.f32 $1.000000000e+00, v9;
	v9 =	vpop (erf);
	(erf) = vpow2.f32 v5;
	v5 =	vadd.f32 $1.000000000e+00, v7  }
0x52: {  	s26 =	simm.s32 $0x4080;
	v4 =	vadd.f32 $1.000000000e+00, v4;
	v7 =	vpop (erf);
	(erf) = vrcp.f32 v8  }
0x53: {  	v11 =	vld [tilespmem:s26+$0xFFFFFF80];
	(erf) = vrcp.f32 v3;
	v3 =	vadd.f32 $1.000000000e+00, v6  }
0x54: {  	v12 =	vld [tilespmem:s26+$0xFFFFFF90];
	v8 =	vpop (erf);
	v6 =	vadd.f32 $1.000000000e+00, v10  }
0x55: {  	v14 =	vld [tilespmem:s26+$0xFFFFFFB0];
	(erf) = vrcp.f32 v5;
	v5 =	vpop (erf)  }
0x56: {  	v16 =	vld [tilespmem:s26+$0xFFFFFFC0];
	(erf) = vrcp.f32 v4;
	v4 =	vpop (erf)  }
0x57: {  	v10 =	vld [tilespmem:s26+$0x70];
	(erf) = vrcp.f32 v3;
	v3 =	vpop (erf)  }
0x58: {  	(erf) = vrcp.f32 v6;
	v6 =	vpop (erf)  }
0x59: {  	vm8 =	vge.f32 v11, $5.000000000e-01;
	vm9 =	vge.f32 v12, $5.000000000e-01;
	v7 =	vadd.f32 $1.000000000e+00, v7;
	v13 =	vpop (erf)  }
0x5a: {  	vm11 =	vge.f32 v14, $5.000000000e-01;
	v9 =	vadd.f32 $1.000000000e+00, v9;
	v13 =	vadd.f32 $1.000000000e+00, v13  }
0x5b: {  	vm12 =	vge.f32 v16, $5.000000000e-01;
	v8 =	vadd.f32 $1.000000000e+00, v8;
	v4 =	vmul.f32 $1.000000000e+04, v4  }
0x5c: {  	v5 =	vadd.f32 $1.000000000e+00, v5;
	(erf) = vrcp.f32 v9;
	v9 =	vld [tilespmem:s26+$0xFFFFFFA0];
	vm0 =	vge.f32 v10, $5.000000000e-01;
	v10 =	vpop (erf)  }
0x5d: {  	v3 =	vadd.f32 $1.000000000e+00, v3;
	v4 =	vtrunc.f32 v4;
	(erf) = vrcp.f32 v7;
	v7 =	vpop (erf)  }
0x5e: {  	v6 =	vadd.f32 $1.000000000e+00, v6;
	v4 =	vcvt.f32.s32 v4;
	(erf) = vrcp.f32 v13;
	v13 =	vpop (erf)  }
0x5f: {  	v15 =	vsel vm0, $0x2800, v2;
	v11 =	vmul.f32 $1.000000000e+04, v13;
	v13 =	vpop (erf);
	(erf) = vrcp.f32 v8  }
0x60: {  	v4 =	vadd.s32 v4, v15;
	v12 =	vmul.f32 $1.000000000e+04, v13;
	v13 =	vpop (erf);
	(erf) = vrcp.f32 v5  }
0x61: {  	v15 =	vld [tilespmem:s26+$0xFFFFFFD0];
	vm10 =	vge.f32 v9, $5.000000000e-01;
	v9 =	vmul.f32 $1.000000000e+04, v13;
	v13 =	vpop (erf);
	(erf) = vrcp.f32 v3  }
0x62: {  	v21 =	vsel vm8, $0x2800, v2;
	v11 =	vtrunc.f32 v11;
	v13 =	vmul.f32 $1.000000000e+04, v13  }
0x63: {  	v10 =	vadd.f32 $1.000000000e+00, v10;
	v8 =	vld [tilespmem:s26+$0xFFFFFFE0];
	v14 =	vpop (erf);
	(erf) = vrcp.f32 v6;
	v12 =	vtrunc.f32 v12  }
0x64: {  	v22 =	vsel vm9, $0x2800, v2;
	v5 =	vld [tilespmem:s26+$0xFFFFFFF0];
	v30 =	vcvt.f32.s32 v11;
	v14 =	vmul.f32 $1.000000000e+04, v14  }
0x65: {  	v7 =	vadd.f32 $1.000000000e+00, v7;
	v3 =	vld [tilespmem:s26+$0x0];
	v16 =	vpop (erf);
	(erf) = vrcp.f32 v10;
	v17 =	vtrunc.f32 v9  }
0x66: {  	vm13 =	vge.f32 v15, $5.000000000e-01;
	v31 =	vcvt.f32.s32 v12;
	v15 =	vmul.f32 $1.000000000e+04, v16  }
0x67: {  	v24 =	vsel vm11, $0x2800, v2;
	v6 =	vld [tilespmem:s26+$0x10];
	v16 =	vpop (erf);
	(erf) = vrcp.f32 v7;
	v18 =	vtrunc.f32 v13  }
0x68: {  	[tilespmem:v4+s18+$0x0] =	vst.idx.add.f32.msk $0xffff, v1;
	vm14 =	vge.f32 v8, $5.000000000e-01;
	v32 =	vcvt.f32.s32 v17;
	v8 =	vmul.f32 $1.000000000e+04, v16  }
0x69: {  	v10 =	vld [tilespmem:s26+$0x20];
	vm0 =	vge.f32 v5, $5.000000000e-01;
	v5 =	vpop (erf);
	v14 =	vtrunc.f32 v14;
	v28 =	vcvt.f32.s32 v18  }
0x6a: {  	v7 =	vld [tilespmem:s26+$0x30];
	v5 =	vmul.f32 $1.000000000e+04, v5;
	vm1 =	vge.f32 v3, $5.000000000e-01;
	v3 =	vpop (erf);
	v19 =	vtrunc.f32 v15  }
0x6b: {  	v26 =	vsel vm12, $0x2800, v2;
	v9 =	vld [tilespmem:s26+$0x50];
	v25 =	vcvt.f32.s32 v14;
	v3 =	vmul.f32 $1.000000000e+04, v3  }
0x6c: {  	v13 =	vld [tilespmem:s26+$0x60];
	vm2 =	vge.f32 v6, $5.000000000e-01;
	v20 =	vtrunc.f32 v8;
	v4 =	vcvt.f32.s32 v19;
	v6 =	vpop (erf)  }
0x6d: {  	v27 =	vsel vm13, $0x2800, v2;
	v16 =	vld [tilespmem:s26+$0x40];
	v15 =	vmul.f32 $1.000000000e+04, v6;
	v6 =	vpop (erf);
	v3 =	vtrunc.f32 v3  }
0x6e: {  	vm3 =	vge.f32 v10, $5.000000000e-01;
	v10 =	vmul.f32 $1.000000000e+04, v6;
	v6 =	vpop (erf);
	v29 =	vcvt.f32.s32 v3  }
0x6f: {  	vm4 =	vge.f32 v7, $5.000000000e-01;
	v3 =	vcvt.f32.s32 v20;
	v23 =	vmul.f32 $1.000000000e+04, v6;
	v7 =	vpop (erf)  }
0x70: {  	vm6 =	vge.f32 v9, $5.000000000e-01;
	v6 =	vtrunc.f32 v5;
	v5 =	vmul.f32 $1.000000000e+04, v7;
	v8 =	vpop (erf)  }
0x71: {  	vm7 =	vge.f32 v13, $5.000000000e-01;
	v7 =	vtrunc.f32 v15;
	v9 =	vmul.f32 $1.000000000e+04, v8;
	v13 =	vpop (erf)  }
0x72: {  	vm5 =	vge.f32 v16, $5.000000000e-01;
	v8 =	vtrunc.f32 v10;
	v16 =	vmul.f32 $1.000000000e+04, v13  }
0x73: {  	v15 =	vtrunc.f32 v23;
	v23 =	vsel vm10, $0x2800, v2;
	v10 =	vtrunc.f32 v5  }
0x74: {  	s28 =	simm.s32 $0x0;
	s29 =	simm.s32 $0x180;
	v5 =	vsel vm14, $0x2800, v2;
	v13 =	vtrunc.f32 v9;
	v9 =	vtrunc.f32 v16  }
.LBB2_5:
0x75: {  	v33 =	vld [tilespmem:s29+$0x70];
	s28 =	sadd.s32 $0x10, s28;
	v16 =	vsel vm0, $0x2800, v2;
	v14 =	vcvt.f32.s32 v6;
	v11 =	vcvt.f32.s32 v7  }
0x76: {  	v18 =	vsel vm1, $0x2800, v2;
	v12 =	vcvt.f32.s32 v8;
	v8 =	vcvt.f32.s32 v15;
	v34 =	vld [tilespmem:s29+$0xFFFFFF90];
	p0 =	slt.u32 s28, $0x1F0  }
0x77: {  	v19 =	vsel vm2, $0x2800, v2;
	v10 =	vcvt.f32.s32 v10;
	v7 =	vcvt.f32.s32 v13;
	v35 =	vld [tilespmem:s29+$0xFFFFFFA0]  }
0x78: {  	v20 =	vsel vm3, $0x2800, v2;
	v15 =	vsel vm4, $0x2800, v2;
	v6 =	vcvt.f32.s32 v9;
	v36 =	vld [tilespmem:s29+$0xFFFFFFB0]  }
0x79: {  	v17 =	vsel vm5, $0x2800, v2;
	v13 =	vsel vm6, $0x2800, v2;
	v9 =	vsel vm7, $0x2800, v2;
	v37 =	vld [tilespmem:s29+$0xFFFFFFC0]  }
0x7a: {  	v21 =	vadd.s32 v29, v21;
	v22 =	vadd.s32 v30, v22;
	v38 =	vld [tilespmem:s29+$0xFFFFFFD0];
	v33 =	vsub.f32 $0.0e+00, v33  }
0x7b: {  	v23 =	vadd.s32 v31, v23;
	v24 =	vadd.s32 v32, v24;
	v29 =	vsub.f32 $0.0e+00, v34;
	v30 =	vld [tilespmem:s29+$0xFFFFFFE0]  }
0x7c: {  	v26 =	vadd.s32 v28, v26;
	v31 =	vsub.f32 $0.0e+00, v35;
	v32 =	vld [tilespmem:s29+$0xFFFFFFF0];
	v33 =	vmul.f32 $1.442695020e+00, v33  }
0x7d: {  	v25 =	vadd.s32 v25, v27;
	v28 =	vmul.f32 $1.442695020e+00, v29;
	v29 =	vsub.f32 $0.0e+00, v36;
	v34 =	vld [tilespmem:s29+$0x0]  }
0x7e: {  	v27 =	vmul.f32 $1.442695020e+00, v31;
	v31 =	vsub.f32 $0.0e+00, v37;
	v35 =	vld [tilespmem:s29+$0x10];
	(erf) = vpow2.f32 v33  }
0x7f: {  	v29 =	vmul.f32 $1.442695020e+00, v29;
	v33 =	vsub.f32 $0.0e+00, v38;
	v36 =	vld [tilespmem:s29+$0x20];
	(erf) = vpow2.f32 v28  }
0x80: {  	v28 =	vmul.f32 $1.442695020e+00, v31;
	v30 =	vsub.f32 $0.0e+00, v30;
	v31 =	vld [tilespmem:s29+$0x30];
	(erf) = vpow2.f32 v27  }
0x81: {  	v27 =	vmul.f32 $1.442695020e+00, v33;
	v32 =	vsub.f32 $0.0e+00, v32;
	v33 =	vld [tilespmem:s29+$0x40];
	(erf) = vpow2.f32 v29  }
0x82: {  	v29 =	vmul.f32 $1.442695020e+00, v30;
	v30 =	vsub.f32 $0.0e+00, v34;
	v34 =	vld [tilespmem:s29+$0x50];
	(erf) = vpow2.f32 v28  }
0x83: {  	v28 =	vmul.f32 $1.442695020e+00, v32;
	v32 =	vsub.f32 $0.0e+00, v35;
	v35 =	vld [tilespmem:s29+$0x60];
	(erf) = vpow2.f32 v27  }
0x84: {  	v27 =	vld [tilespmem:s29+$0xFFFFFF80];
	v30 =	vmul.f32 $1.442695020e+00, v30;
	v36 =	vsub.f32 $0.0e+00, v36;
	(erf) = vpow2.f32 v29  }
0x85: {  	v32 =	vmul.f32 $1.442695020e+00, v32;
	v37 =	vsub.f32 $0.0e+00, v31;
	(erf) = vpow2.f32 v28;
	[tilespmem:v21+s18+$0x0] =	vst.idx.add.f32.msk $0xffff, v1  }
0x86: {  	v21 =	vmul.f32 $1.442695020e+00, v36;
	v28 =	vsub.f32 $0.0e+00, v33;
	(erf) = vpow2.f32 v30;
	[tilespmem:v22+s18+$0x0] =	vst.idx.add.f32.msk $0xffff, v1  }
0x87: {  	v22 =	vmul.f32 $1.442695020e+00, v37;
	v33 =	vsub.f32 $0.0e+00, v34;
	(erf) = vpow2.f32 v32;
	v29 =	vpop (erf);
	[tilespmem:v23+s18+$0x0] =	vst.idx.add.f32.msk $0xffff, v1  }
0x88: {  	v23 =	vmul.f32 $1.442695020e+00, v28;
	v32 =	vsub.f32 $0.0e+00, v35;
	v34 =	vadd.f32 $1.000000000e+00, v29;
	v31 =	vpop (erf);
	[tilespmem:v24+s18+$0x0] =	vst.idx.add.f32.msk $0xffff, v1  }
0x89: {  	v24 =	vsub.f32 $0.0e+00, v27;
	v27 =	vmul.f32 $1.442695020e+00, v33;
	v30 =	vpop (erf);
	(erf) = vpow2.f32 v21;
	[tilespmem:v26+s18+$0x0] =	vst.idx.add.f32.msk $0xffff, v1  }
0x8a: {  	v21 =	vadd.f32 $1.000000000e+00, v31;
	v26 =	vmul.f32 $1.442695020e+00, v32;
	v28 =	vpop (erf);
	(erf) = vrcp.f32 v34;
	[tilespmem:v25+s18+$0x0] =	vst.idx.add.f32.msk $0xffff, v1  }
0x8b: {  	v25 =	vadd.f32 $1.000000000e+00, v30;
	v31 =	vmul.f32 $1.442695020e+00, v24;
	v29 =	vpop (erf);
	(erf) = vpow2.f32 v22  }
0x8c: {  	v22 =	vadd.f32 $1.000000000e+00, v28;
	v28 =	vadd.f32 $1.000000000e+00, v29;
	v29 =	vpop (erf);
	(erf) = vpow2.f32 v23  }
0x8d: {  	v23 =	vadd.f32 $1.000000000e+00, v29;
	(erf) = vpow2.f32 v31;
	v24 =	vpop (erf);
	v29 =	vadd.s32 v4, v5  }
0x8e: {  	v16 =	vadd.s32 v3, v16;
	v24 =	vadd.f32 $1.000000000e+00, v24;
	v4 =	vpop (erf);
	(erf) = vpow2.f32 v27  }
0x8f: {  	v18 =	vadd.s32 v14, v18;
	v27 =	vadd.f32 $1.000000000e+00, v4;
	v3 =	vpop (erf);
	(erf) = vpow2.f32 v26  }
0x90: {  	v14 =	vadd.s32 v11, v19;
	v26 =	vadd.f32 $1.000000000e+00, v3;
	(erf) = vrcp.f32 v21;
	v3 =	vpop (erf)  }
0x91: {  	s26 =	sadd.s32 $0x100, s26;
	v11 =	vadd.s32 v12, v20;
	v19 =	vadd.f32 $1.000000000e+00, v3;
	(erf) = vrcp.f32 v25  }
0x92: {  	v8 =	vadd.s32 v8, v15;
	v3 =	vadd.s32 v10, v17;
	v12 =	vld [tilespmem:s26+$0x70];
	(erf) = vrcp.f32 v22;
	v4 =	vpop (erf)  }
0x93: {  	v10 =	vld [tilespmem:s26+$0xFFFFFF80];
	v15 =	vadd.f32 $1.000000000e+00, v4;
	(erf) = vrcp.f32 v28;
	v5 =	vpop (erf);
	v4 =	vadd.s32 v7, v13  }
0x94: {  	v7 =	vld [tilespmem:s26+$0xFFFFFF90];
	v13 =	vmul.f32 $1.000000000e+04, v5;
	(erf) = vrcp.f32 v23;
	v17 =	vpop (erf);
	v5 =	vadd.s32 v6, v9  }
0x95: {  	v6 =	vld [tilespmem:s26+$0xFFFFFFA0];
	v9 =	vadd.f32 $1.000000000e+00, v17;
	(erf) = vrcp.f32 v24;
	v17 =	vpop (erf)  }
0x96: {  	v20 =	vld [tilespmem:s26+$0xFFFFFFB0];
	v17 =	vadd.f32 $1.000000000e+00, v17;
	v13 =	vtrunc.f32 v13;
	v21 =	vpop (erf);
	(erf) = vrcp.f32 v27  }
0x97: {  	v27 =	vadd.f32 $1.000000000e+00, v21;
	v22 =	vld [tilespmem:s26+$0xFFFFFFC0];
	v13 =	vcvt.f32.s32 v13;
	vm0 =	vge.f32 v12, $5.000000000e-01;
	v12 =	vpop (erf)  }
0x98: {  	v23 =	vld [tilespmem:s26+$0xFFFFFFD0];
	v12 =	vadd.f32 $1.000000000e+00, v12;
	v28 =	vsel vm0, $0x2800, v2;
	(erf) = vrcp.f32 v26;
	v25 =	vpop (erf)  }
0x99: {  	v26 =	vld [tilespmem:s26+$0xFFFFFFE0];
	v25 =	vadd.f32 $1.000000000e+00, v25;
	v13 =	vadd.s32 v13, v28;
	(erf) = vrcp.f32 v27;
	v21 =	vpop (erf)  }
0x9a: {  	vm8 =	vge.f32 v10, $5.000000000e-01;
	v10 =	vmul.f32 $1.000000000e+04, v21;
	v21 =	vld [tilespmem:s26+$0xFFFFFFF0];
	v24 =	vpop (erf);
	(erf) = vrcp.f32 v19  }
0x9b: {  	vm9 =	vge.f32 v7, $5.000000000e-01;
	v7 =	vmul.f32 $1.000000000e+04, v24;
	v19 =	vld [tilespmem:s26+$0x0];
	v24 =	vpop (erf);
	(erf) = vrcp.f32 v15  }
0x9c: {  	vm11 =	vge.f32 v6, $5.000000000e-01;
	v6 =	vmul.f32 $1.000000000e+04, v24;
	v15 =	vld [tilespmem:s26+$0x10];
	v24 =	vpop (erf);
	(erf) = vrcp.f32 v9  }
0x9d: {  	vm10 =	vge.f32 v20, $5.000000000e-01;
	v9 =	vmul.f32 $1.000000000e+04, v24;
	v20 =	vld [tilespmem:s26+$0x20];
	v24 =	vpop (erf);
	(erf) = vrcp.f32 v17  }
0x9e: {  	vm12 =	vge.f32 v22, $5.000000000e-01;
	v17 =	vmul.f32 $1.000000000e+04, v24;
	[tilespmem:v13+s18+$0x0] =	vst.idx.add.f32.msk $0xffff, v1;
	v13 =	vpop (erf);
	(erf) = vrcp.f32 v12  }
0x9f: {  	vm13 =	vge.f32 v23, $5.000000000e-01;
	v12 =	vmul.f32 $1.000000000e+04, v13;
	v13 =	vld [tilespmem:s26+$0x30];
	v22 =	vpop (erf);
	(erf) = vrcp.f32 v25  }
0xa0: {  	v24 =	vtrunc.f32 v10;
	vm14 =	vge.f32 v26, $5.000000000e-01;
	v10 =	vmul.f32 $1.000000000e+04, v22;
	v22 =	vld [tilespmem:s26+$0x40]  }
0xa1: {  	v26 =	vtrunc.f32 v6;
	v25 =	vtrunc.f32 v7;
	vm0 =	vge.f32 v21, $5.000000000e-01;
	v7 =	vld [tilespmem:s26+$0x50];
	v6 =	vpop (erf)  }
0xa2: {  	v27 =	vtrunc.f32 v9;
	vm1 =	vge.f32 v19, $5.000000000e-01;
	v6 =	vmul.f32 $1.000000000e+04, v6;
	v9 =	vld [tilespmem:s26+$0x60];
	v19 =	vpop (erf)  }
0xa3: {  	v17 =	vtrunc.f32 v17;
	vm2 =	vge.f32 v15, $5.000000000e-01;
	v19 =	vmul.f32 $1.000000000e+04, v19;
	v15 =	vpop (erf);
	[tilespmem:v29+s18+$0x0] =	vst.idx.add.f32.msk $0xffff, v1  }
0xa4: {  	v12 =	vtrunc.f32 v12;
	vm3 =	vge.f32 v20, $5.000000000e-01;
	v15 =	vmul.f32 $1.000000000e+04, v15;
	v20 =	vpop (erf);
	[tilespmem:v16+s18+$0x0] =	vst.idx.add.f32.msk $0xffff, v1  }
0xa5: {  	vm4 =	vge.f32 v13, $5.000000000e-01;
	v16 =	vtrunc.f32 v19;
	v19 =	vmul.f32 $1.000000000e+04, v20;
	v13 =	vpop (erf);
	[tilespmem:v18+s18+$0x0] =	vst.idx.add.f32.msk $0xffff, v1  }
0xa6: {  	v18 =	vtrunc.f32 v10;
	vm5 =	vge.f32 v22, $5.000000000e-01;
	v10 =	vmul.f32 $1.000000000e+04, v13;
	v13 =	vpop (erf);
	[tilespmem:v14+s18+$0x0] =	vst.idx.add.f32.msk $0xffff, v1  }
0xa7: {  	v6 =	vtrunc.f32 v6;
	vm6 =	vge.f32 v7, $5.000000000e-01;
	v13 =	vmul.f32 $1.000000000e+04, v13;
	v14 =	vpop (erf);
	[tilespmem:v11+s18+$0x0] =	vst.idx.add.f32.msk $0xffff, v1  }
0xa8: {  	v7 =	vtrunc.f32 v15;
	vm7 =	vge.f32 v9, $5.000000000e-01;
	v11 =	vmul.f32 $1.000000000e+04, v14;
	v9 =	vpop (erf);
	[tilespmem:v8+s18+$0x0] =	vst.idx.add.f32.msk $0xffff, v1  }
0xa9: {  	v21 =	vsel vm8, $0x2800, v2;
	v8 =	vtrunc.f32 v19;
	v9 =	vmul.f32 $1.000000000e+04, v9;
	[tilespmem:v3+s18+$0x0] =	vst.idx.add.f32.msk $0xffff, v1  }
0xaa: {  	v22 =	vsel vm9, $0x2800, v2;
	v15 =	vtrunc.f32 v10;
	v10 =	vtrunc.f32 v13;
	[tilespmem:v4+s18+$0x0] =	vst.idx.add.f32.msk $0xffff, v1  }
.Ltmp3:
0xab: {  	v23 =	vsel vm11, $0x2800, v2;
	v13 =	vtrunc.f32 v11;
	v9 =	vtrunc.f32 v9;
	[tilespmem:v5+s18+$0x0] =	vst.idx.add.f32.msk $0xffff, v1;
	(pc) =	sbr.rel @p0 .LBB2_5-.Ltmp3, $4  }
0xac: {  	v30 =	vcvt.f32.s32 v24;
	v24 =	vsel vm10, $0x2800, v2;
	v29 =	vcvt.f32.s32 v16  }
0xad: {  	v32 =	vcvt.f32.s32 v26;
	v26 =	vsel vm12, $0x2800, v2;
	v31 =	vcvt.f32.s32 v25  }
0xae: {  	v28 =	vcvt.f32.s32 v27;
	v27 =	vsel vm13, $0x2800, v2;
	v25 =	vcvt.f32.s32 v17  }
0xaf: {  	s29 =	sadd.s32 $0x100, s29;
	v3 =	vcvt.f32.s32 v18;
	v4 =	vcvt.f32.s32 v12;
	v5 =	vsel vm14, $0x2800, v2  }
0xb0: {  	v11 =	vadd.s32 v29, v21  }
0xb1: {  	v12 =	vadd.s32 v30, v22  }
0xb2: {  	v14 =	vadd.s32 v31, v23  }
0xb3: {  	v16 =	vadd.s32 v32, v24  }
0xb4: {  	v17 =	vadd.s32 v28, v26  }
0xb5: {  	v18 =	vadd.s32 v25, v27;
	v6 =	vcvt.f32.s32 v6;
	[tilespmem:v11+s18+$0x0] =	vst.idx.add.f32.msk $0xffff, v1  }
0xb6: {  	v4 =	vadd.s32 v4, v5;
	v5 =	vcvt.f32.s32 v7;
	v7 =	vsel vm1, $0x2800, v2;
	[tilespmem:v12+s18+$0x0] =	vst.idx.add.f32.msk $0xffff, v1  }
0xb7: {  	v8 =	vcvt.f32.s32 v8;
	v6 =	vadd.s32 v6, v7;
	v11 =	vsel vm0, $0x2800, v2;
	[tilespmem:v14+s18+$0x0] =	vst.idx.add.f32.msk $0xffff, v1  }
0xb8: {  	v10 =	vcvt.f32.s32 v10;
	[tilespmem:v16+s18+$0x0] =	vst.idx.add.f32.msk $0xffff, v1;
	v12 =	vsel vm3, $0x2800, v2;
	v3 =	vadd.s32 v3, v11  }
0xb9: {  	v7 =	vcvt.f32.s32 v15;
	[tilespmem:v17+s18+$0x0] =	vst.idx.add.f32.msk $0xffff, v1;
	v11 =	vsel vm2, $0x2800, v2;
	v8 =	vadd.s32 v8, v12  }
0xba: {  	[tilespmem:v18+s18+$0x0] =	vst.idx.add.f32.msk $0xffff, v1;
	v12 =	vcvt.f32.s32 v13;
	v13 =	vsel vm5, $0x2800, v2;
	v5 =	vadd.s32 v5, v11  }
0xbb: {  	[tilespmem:v4+s18+$0x0] =	vst.idx.add.f32.msk $0xffff, v1;
	v11 =	vsel vm4, $0x2800, v2;
	v10 =	vadd.s32 v10, v13  }
0xbc: {  	v4 =	vcvt.f32.s32 v9;
	v9 =	vsel vm6, $0x2800, v2;
	[tilespmem:v6+s18+$0x0] =	vst.idx.add.f32.msk $0xffff, v1;
	v7 =	vadd.s32 v7, v11  }
0xbd: {  	v9 =	vadd.s32 v12, v9;
	[tilespmem:v3+s18+$0x0] =	vst.idx.add.f32.msk $0xffff, v1;
	v3 =	vsel vm7, $0x2800, v2  }
0xbe: {  	[tilespmem:v8+s18+$0x0] =	vst.idx.add.f32.msk $0xffff, v1;
	v3 =	vadd.s32 v4, v3  }
0xbf: {  	[tilespmem:v5+s18+$0x0] =	vst.idx.add.f32.msk $0xffff, v1  }
0xc0: {  	s26 =	sshll.u32 s25, $0xE;
	p0 =	seq.s32 s25, $0x7;
	[tilespmem:v10+s18+$0x0] =	vst.idx.add.f32.msk $0xffff, v1  }
0xc1: {  	s28 =	sadd.s32 @!p0 s26, s9;
	[tilespmem:v7+s18+$0x0] =	vst.idx.add.f32.msk $0xffff, v1  }
0xc2: {  	s28 =	sshrl.u32 @!p0 s28, $0x3;
	[tilespmem:v9+s18+$0x0] =	vst.idx.add.f32.msk $0xffff, v1  }
0xc3: {  	s30 =	simm.s32 @!p0 $0x0;
	s29 =	sadd.s32 @!p0 s1, s28;
	[tilespmem:v3+s18+$0x0] =	vst.idx.add.f32.msk $0xffff, v1  }
0xc4: {  	[tilespmem:s30], [sflag:$0x1] =	stream.linear.gather @!p0 [hbm4b:s29+s30], $0x2000, $0x38;
	[tilespmem:$0xD000] =	vst v63  }
0xc5: {  	s28 =	sadd.s32 @!p0 s3, s28;
	s29 =	simm.s32 @!p0 $0x4000  }
0xc6: {  	[tilespmem:s29], [sflag:$0x3] =	stream.linear.gather @!p0 [hbm4b:s28+s30], $0x2000, $0x38;
	[tilespmem:$0xD000] =	vst v63  }
0xc7: {  	_ =	swait.ge [sflag:s19], $0x2000  }
0xc8: {  	[sflag:s19] =	ssyncset.done $0x0  }
0xc9: {  	[sflag:s19] =	ssyncadd.s32 $0xFFFFE000  }
0xca: {  	_ =	swait.ge [sflag:s20], $0x2000  }
0xcb: {  	[sflag:s20] =	ssyncset.done $0x0  }
0xcc: {  	s28 =	simm.s32 $0x2080;
	[sflag:s20] =	ssyncadd.s32 $0xFFFFE000  }
0xcd: {  	v3 =	vld [tilespmem:s28+$0x70]  }
0xce: {  	v4 =	vld [tilespmem:s28+$0xFFFFFF90]  }
0xcf: {  	v5 =	vld [tilespmem:s28+$0xFFFFFFA0]  }
0xd0: {  	v6 =	vld [tilespmem:s28+$0xFFFFFFB0]  }
0xd1: {  	v8 =	vld [tilespmem:s28+$0xFFFFFFD0]  }
0xd2: {  	v7 =	vld [tilespmem:s28+$0xFFFFFFC0]  }
0xd3: {  	v9 =	vld [tilespmem:s28+$0xFFFFFFE0];
	v3 =	vsub.f32 $0.0e+00, v3  }
0xd4: {  	v10 =	vld [tilespmem:s28+$0xFFFFFFF0];
	v4 =	vsub.f32 $0.0e+00, v4  }
0xd5: {  	v11 =	vld [tilespmem:s28+$0x0];
	v5 =	vsub.f32 $0.0e+00, v5;
	v3 =	vmul.f32 $1.442695020e+00, v3  }
0xd6: {  	v6 =	vsub.f32 $0.0e+00, v6;
	v8 =	vsub.f32 $0.0e+00, v8;
	v4 =	vmul.f32 $1.442695020e+00, v4  }
0xd7: {  	(erf) = vpow2.f32 v3;
	v3 =	vmul.f32 $1.442695020e+00, v5;
	v5 =	vsub.f32 $0.0e+00, v7  }
0xd8: {  	v6 =	vmul.f32 $1.442695020e+00, v6;
	v8 =	vmul.f32 $1.442695020e+00, v8;
	v7 =	vld [tilespmem:s28+$0x10]  }
0xd9: {  	v12 =	vld [tilespmem:s28+$0x20];
	(erf) = vpow2.f32 v4;
	v4 =	vmul.f32 $1.442695020e+00, v5;
	v5 =	vsub.f32 $0.0e+00, v9  }
0xda: {  	(erf) = vpow2.f32 v3;
	v9 =	vsub.f32 $0.0e+00, v10;
	v10 =	vsub.f32 $0.0e+00, v11  }
0xdb: {  	v3 =	vld [tilespmem:s28+$0x30];
	(erf) = vpow2.f32 v6;
	v5 =	vmul.f32 $1.442695020e+00, v5  }
0xdc: {  	v6 =	vld [tilespmem:s28+$0x40];
	(erf) = vpow2.f32 v4;
	v10 =	vmul.f32 $1.442695020e+00, v10  }
0xdd: {  	v4 =	vmul.f32 $1.442695020e+00, v9;
	v9 =	vld [tilespmem:s28+$0x50];
	v7 =	vsub.f32 $0.0e+00, v7;
	(erf) = vpow2.f32 v8  }
0xde: {  	v11 =	vsub.f32 $0.0e+00, v12;
	v8 =	vld [tilespmem:s28+$0xFFFFFF80];
	(erf) = vpow2.f32 v5  }
0xdf: {  	v7 =	vmul.f32 $1.442695020e+00, v7;
	(erf) = vpow2.f32 v4  }
0xe0: {  	v5 =	vld [tilespmem:s28+$0x60];
	v3 =	vsub.f32 $0.0e+00, v3;
	v4 =	vmul.f32 $1.442695020e+00, v11;
	(erf) = vpow2.f32 v10;
	v10 =	vpop (erf)  }
0xe1: {  	v6 =	vsub.f32 $0.0e+00, v6;
	(erf) = vpow2.f32 v7;
	v7 =	vadd.f32 $1.000000000e+00, v10  }
0xe2: {  	v10 =	vpop (erf);
	(erf) = vpow2.f32 v4;
	v4 =	vsub.f32 $0.0e+00, v9  }
0xe3: {  	v3 =	vmul.f32 $1.442695020e+00, v3;
	v8 =	vsub.f32 $0.0e+00, v8;
	v6 =	vmul.f32 $1.442695020e+00, v6  }
0xe4: {  	v9 =	vpop (erf);
	(erf) = vrcp.f32 v7  }
0xe5: {  	v5 =	vsub.f32 $0.0e+00, v5;
	v8 =	vmul.f32 $1.442695020e+00, v8;
	v7 =	vpop (erf);
	(erf) = vpow2.f32 v3  }
0xe6: {  	v3 =	vmul.f32 $1.442695020e+00, v4;
	v4 =	vpop (erf);
	(erf) = vpow2.f32 v6  }
0xe7: {  	v5 =	vmul.f32 $1.442695020e+00, v5;
	v6 =	vpop (erf);
	(erf) = vpow2.f32 v8  }
0xe8: {  	v8 =	vadd.f32 $1.000000000e+00, v10;
	v10 =	vpop (erf);
	(erf) = vpow2.f32 v3  }
0xe9: {  	v3 =	vadd.f32 $1.000000000e+00, v9;
	v9 =	vpop (erf);
	(erf) = vpow2.f32 v5;
	v5 =	vadd.f32 $1.000000000e+00, v7  }
0xea: {  	s28 =	simm.s32 $0x6080;
	v4 =	vadd.f32 $1.000000000e+00, v4;
	v7 =	vpop (erf);
	(erf) = vrcp.f32 v8  }
0xeb: {  	v11 =	vld [tilespmem:s28+$0xFFFFFF80];
	(erf) = vrcp.f32 v3;
	v3 =	vadd.f32 $1.000000000e+00, v6  }
0xec: {  	v12 =	vld [tilespmem:s28+$0xFFFFFF90];
	v8 =	vpop (erf);
	v6 =	vadd.f32 $1.000000000e+00, v10  }
0xed: {  	v14 =	vld [tilespmem:s28+$0xFFFFFFB0];
	(erf) = vrcp.f32 v5;
	v5 =	vpop (erf)  }
0xee: {  	v16 =	vld [tilespmem:s28+$0xFFFFFFC0];
	(erf) = vrcp.f32 v4;
	v4 =	vpop (erf)  }
0xef: {  	v10 =	vld [tilespmem:s28+$0x70];
	(erf) = vrcp.f32 v3;
	v3 =	vpop (erf)  }
0xf0: {  	(erf) = vrcp.f32 v6;
	v6 =	vpop (erf)  }
0xf1: {  	vm8 =	vge.f32 v11, $5.000000000e-01;
	vm9 =	vge.f32 v12, $5.000000000e-01;
	v7 =	vadd.f32 $1.000000000e+00, v7;
	v13 =	vpop (erf)  }
0xf2: {  	vm11 =	vge.f32 v14, $5.000000000e-01;
	v9 =	vadd.f32 $1.000000000e+00, v9;
	v13 =	vadd.f32 $1.000000000e+00, v13  }
0xf3: {  	vm12 =	vge.f32 v16, $5.000000000e-01;
	v8 =	vadd.f32 $1.000000000e+00, v8;
	v4 =	vmul.f32 $1.000000000e+04, v4  }
0xf4: {  	v5 =	vadd.f32 $1.000000000e+00, v5;
	(erf) = vrcp.f32 v9;
	v9 =	vld [tilespmem:s28+$0xFFFFFFA0];
	vm0 =	vge.f32 v10, $5.000000000e-01;
	v10 =	vpop (erf)  }
0xf5: {  	v3 =	vadd.f32 $1.000000000e+00, v3;
	v4 =	vtrunc.f32 v4;
	(erf) = vrcp.f32 v7;
	v7 =	vpop (erf)  }
0xf6: {  	v6 =	vadd.f32 $1.000000000e+00, v6;
	v4 =	vcvt.f32.s32 v4;
	(erf) = vrcp.f32 v13;
	v13 =	vpop (erf)  }
0xf7: {  	v15 =	vsel vm0, $0x2800, v2;
	v11 =	vmul.f32 $1.000000000e+04, v13;
	v13 =	vpop (erf);
	(erf) = vrcp.f32 v8  }
0xf8: {  	v4 =	vadd.s32 v4, v15;
	v12 =	vmul.f32 $1.000000000e+04, v13;
	v13 =	vpop (erf);
	(erf) = vrcp.f32 v5  }
0xf9: {  	v15 =	vld [tilespmem:s28+$0xFFFFFFD0];
	vm10 =	vge.f32 v9, $5.000000000e-01;
	v9 =	vmul.f32 $1.000000000e+04, v13;
	v13 =	vpop (erf);
	(erf) = vrcp.f32 v3  }
0xfa: {  	v21 =	vsel vm8, $0x2800, v2;
	v11 =	vtrunc.f32 v11;
	v13 =	vmul.f32 $1.000000000e+04, v13  }
0xfb: {  	v10 =	vadd.f32 $1.000000000e+00, v10;
	v8 =	vld [tilespmem:s28+$0xFFFFFFE0];
	v14 =	vpop (erf);
	(erf) = vrcp.f32 v6;
	v12 =	vtrunc.f32 v12  }
0xfc: {  	v22 =	vsel vm9, $0x2800, v2;
	v5 =	vld [tilespmem:s28+$0xFFFFFFF0];
	v30 =	vcvt.f32.s32 v11;
	v14 =	vmul.f32 $1.000000000e+04, v14  }
0xfd: {  	v7 =	vadd.f32 $1.000000000e+00, v7;
	v3 =	vld [tilespmem:s28+$0x0];
	v16 =	vpop (erf);
	(erf) = vrcp.f32 v10;
	v17 =	vtrunc.f32 v9  }
0xfe: {  	vm13 =	vge.f32 v15, $5.000000000e-01;
	v31 =	vcvt.f32.s32 v12;
	v15 =	vmul.f32 $1.000000000e+04, v16  }
0xff: {  	v24 =	vsel vm11, $0x2800, v2;
	v6 =	vld [tilespmem:s28+$0x10];
	v16 =	vpop (erf);
	(erf) = vrcp.f32 v7;
	v63 =	vtrunc.f32 v13  }
0x100: {  	[tilespmem:v4+s18+$0x0] =	vst.idx.add.f32.msk $0xffff, v1;
	vm14 =	vge.f32 v8, $5.000000000e-01;
	v32 =	vcvt.f32.s32 v17;
	v8 =	vmul.f32 $1.000000000e+04, v16  }
0x101: {  	v10 =	vld [tilespmem:s28+$0x20];
	vm0 =	vge.f32 v5, $5.000000000e-01;
	v5 =	vpop (erf);
	v14 =	vtrunc.f32 v14;
	v28 =	vcvt.f32.s32 v63  }
0x102: {  	v7 =	vld [tilespmem:s28+$0x30];
	v5 =	vmul.f32 $1.000000000e+04, v5;
	vm1 =	vge.f32 v3, $5.000000000e-01;
	v3 =	vpop (erf);
	v19 =	vtrunc.f32 v15  }
0x103: {  	v26 =	vsel vm12, $0x2800, v2;
	v9 =	vld [tilespmem:s28+$0x50];
	v25 =	vcvt.f32.s32 v14;
	v3 =	vmul.f32 $1.000000000e+04, v3  }
0x104: {  	v13 =	vld [tilespmem:s28+$0x60];
	vm2 =	vge.f32 v6, $5.000000000e-01;
	v20 =	vtrunc.f32 v8;
	v4 =	vcvt.f32.s32 v19;
	v6 =	vpop (erf)  }
0x105: {  	v27 =	vsel vm13, $0x2800, v2;
	v16 =	vld [tilespmem:s28+$0x40];
	v15 =	vmul.f32 $1.000000000e+04, v6;
	v6 =	vpop (erf);
	v3 =	vtrunc.f32 v3  }
0x106: {  	vm3 =	vge.f32 v10, $5.000000000e-01;
	v10 =	vmul.f32 $1.000000000e+04, v6;
	v6 =	vpop (erf);
	v29 =	vcvt.f32.s32 v3  }
0x107: {  	vm4 =	vge.f32 v7, $5.000000000e-01;
	v3 =	vcvt.f32.s32 v20;
	v23 =	vmul.f32 $1.000000000e+04, v6;
	v7 =	vpop (erf)  }
0x108: {  	vm6 =	vge.f32 v9, $5.000000000e-01;
	v6 =	vtrunc.f32 v5;
	v5 =	vmul.f32 $1.000000000e+04, v7;
	v8 =	vpop (erf)  }
0x109: {  	vm7 =	vge.f32 v13, $5.000000000e-01;
	v7 =	vtrunc.f32 v15;
	v9 =	vmul.f32 $1.000000000e+04, v8;
	v13 =	vpop (erf)  }
0x10a: {  	vm5 =	vge.f32 v16, $5.000000000e-01;
	v8 =	vtrunc.f32 v10;
	v16 =	vmul.f32 $1.000000000e+04, v13  }
0x10b: {  	v15 =	vtrunc.f32 v23;
	v23 =	vsel vm10, $0x2800, v2;
	v10 =	vtrunc.f32 v5  }
0x10c: {  	s29 =	simm.s32 $0x0;
	s30 =	simm.s32 $0x2180;
	v5 =	vsel vm14, $0x2800, v2;
	v13 =	vtrunc.f32 v9;
	v9 =	vtrunc.f32 v16  }
.LBB2_7:
0x10d: {  	v33 =	vld [tilespmem:s30+$0x70];
	s29 =	sadd.s32 $0x10, s29;
	v16 =	vsel vm0, $0x2800, v2;
	v14 =	vcvt.f32.s32 v6;
	v11 =	vcvt.f32.s32 v7  }
0x10e: {  	v18 =	vsel vm1, $0x2800, v2;
	v12 =	vcvt.f32.s32 v8;
	v8 =	vcvt.f32.s32 v15;
	v34 =	vld [tilespmem:s30+$0xFFFFFF90];
	p1 =	slt.u32 s29, $0x1F0  }
0x10f: {  	v19 =	vsel vm2, $0x2800, v2;
	v10 =	vcvt.f32.s32 v10;
	v7 =	vcvt.f32.s32 v13;
	v35 =	vld [tilespmem:s30+$0xFFFFFFA0]  }
0x110: {  	v20 =	vsel vm3, $0x2800, v2;
	v15 =	vsel vm4, $0x2800, v2;
	v6 =	vcvt.f32.s32 v9;
	v36 =	vld [tilespmem:s30+$0xFFFFFFB0]  }
0x111: {  	v17 =	vsel vm5, $0x2800, v2;
	v13 =	vsel vm6, $0x2800, v2;
	v9 =	vsel vm7, $0x2800, v2;
	v37 =	vld [tilespmem:s30+$0xFFFFFFC0]  }
0x112: {  	v21 =	vadd.s32 v29, v21;
	v22 =	vadd.s32 v30, v22;
	v38 =	vld [tilespmem:s30+$0xFFFFFFD0];
	v33 =	vsub.f32 $0.0e+00, v33  }
0x113: {  	v23 =	vadd.s32 v31, v23;
	v24 =	vadd.s32 v32, v24;
	v29 =	vsub.f32 $0.0e+00, v34;
	v30 =	vld [tilespmem:s30+$0xFFFFFFE0]  }
0x114: {  	v26 =	vadd.s32 v28, v26;
	v31 =	vsub.f32 $0.0e+00, v35;
	v32 =	vld [tilespmem:s30+$0xFFFFFFF0];
	v33 =	vmul.f32 $1.442695020e+00, v33  }
0x115: {  	v25 =	vadd.s32 v25, v27;
	v28 =	vmul.f32 $1.442695020e+00, v29;
	v29 =	vsub.f32 $0.0e+00, v36;
	v34 =	vld [tilespmem:s30+$0x0]  }
0x116: {  	v27 =	vmul.f32 $1.442695020e+00, v31;
	v31 =	vsub.f32 $0.0e+00, v37;
	v35 =	vld [tilespmem:s30+$0x10];
	(erf) = vpow2.f32 v33  }
0x117: {  	v29 =	vmul.f32 $1.442695020e+00, v29;
	v33 =	vsub.f32 $0.0e+00, v38;
	v36 =	vld [tilespmem:s30+$0x20];
	(erf) = vpow2.f32 v28  }
0x118: {  	v28 =	vmul.f32 $1.442695020e+00, v31;
	v30 =	vsub.f32 $0.0e+00, v30;
	v31 =	vld [tilespmem:s30+$0x30];
	(erf) = vpow2.f32 v27  }
0x119: {  	v27 =	vmul.f32 $1.442695020e+00, v33;
	v32 =	vsub.f32 $0.0e+00, v32;
	v33 =	vld [tilespmem:s30+$0x40];
	(erf) = vpow2.f32 v29  }
0x11a: {  	v29 =	vmul.f32 $1.442695020e+00, v30;
	v30 =	vsub.f32 $0.0e+00, v34;
	v34 =	vld [tilespmem:s30+$0x50];
	(erf) = vpow2.f32 v28  }
0x11b: {  	v28 =	vmul.f32 $1.442695020e+00, v32;
	v32 =	vsub.f32 $0.0e+00, v35;
	v35 =	vld [tilespmem:s30+$0x60];
	(erf) = vpow2.f32 v27  }
0x11c: {  	v27 =	vld [tilespmem:s30+$0xFFFFFF80];
	v30 =	vmul.f32 $1.442695020e+00, v30;
	v36 =	vsub.f32 $0.0e+00, v36;
	(erf) = vpow2.f32 v29  }
0x11d: {  	v32 =	vmul.f32 $1.442695020e+00, v32;
	v37 =	vsub.f32 $0.0e+00, v31;
	(erf) = vpow2.f32 v28;
	[tilespmem:v21+s18+$0x0] =	vst.idx.add.f32.msk $0xffff, v1  }
0x11e: {  	v21 =	vmul.f32 $1.442695020e+00, v36;
	v28 =	vsub.f32 $0.0e+00, v33;
	(erf) = vpow2.f32 v30;
	[tilespmem:v22+s18+$0x0] =	vst.idx.add.f32.msk $0xffff, v1  }
0x11f: {  	v22 =	vmul.f32 $1.442695020e+00, v37;
	v33 =	vsub.f32 $0.0e+00, v34;
	(erf) = vpow2.f32 v32;
	v29 =	vpop (erf);
	[tilespmem:v23+s18+$0x0] =	vst.idx.add.f32.msk $0xffff, v1  }
0x120: {  	v23 =	vmul.f32 $1.442695020e+00, v28;
	v32 =	vsub.f32 $0.0e+00, v35;
	v34 =	vadd.f32 $1.000000000e+00, v29;
	v31 =	vpop (erf);
	[tilespmem:v24+s18+$0x0] =	vst.idx.add.f32.msk $0xffff, v1  }
0x121: {  	v24 =	vsub.f32 $0.0e+00, v27;
	v27 =	vmul.f32 $1.442695020e+00, v33;
	v30 =	vpop (erf);
	(erf) = vpow2.f32 v21;
	[tilespmem:v26+s18+$0x0] =	vst.idx.add.f32.msk $0xffff, v1  }
0x122: {  	v21 =	vadd.f32 $1.000000000e+00, v31;
	v26 =	vmul.f32 $1.442695020e+00, v32;
	v28 =	vpop (erf);
	(erf) = vrcp.f32 v34;
	[tilespmem:v25+s18+$0x0] =	vst.idx.add.f32.msk $0xffff, v1  }
0x123: {  	v25 =	vadd.f32 $1.000000000e+00, v30;
	v31 =	vmul.f32 $1.442695020e+00, v24;
	v29 =	vpop (erf);
	(erf) = vpow2.f32 v22  }
0x124: {  	v22 =	vadd.f32 $1.000000000e+00, v28;
	v28 =	vadd.f32 $1.000000000e+00, v29;
	v29 =	vpop (erf);
	(erf) = vpow2.f32 v23  }
0x125: {  	v23 =	vadd.f32 $1.000000000e+00, v29;
	(erf) = vpow2.f32 v31;
	v24 =	vpop (erf);
	v29 =	vadd.s32 v4, v5  }
0x126: {  	v16 =	vadd.s32 v3, v16;
	v24 =	vadd.f32 $1.000000000e+00, v24;
	v4 =	vpop (erf);
	(erf) = vpow2.f32 v27  }
0x127: {  	v18 =	vadd.s32 v14, v18;
	v27 =	vadd.f32 $1.000000000e+00, v4;
	v3 =	vpop (erf);
	(erf) = vpow2.f32 v26  }
0x128: {  	v14 =	vadd.s32 v11, v19;
	v26 =	vadd.f32 $1.000000000e+00, v3;
	(erf) = vrcp.f32 v21;
	v3 =	vpop (erf)  }
0x129: {  	s28 =	sadd.s32 $0x100, s28;
	v11 =	vadd.s32 v12, v20;
	v19 =	vadd.f32 $1.000000000e+00, v3;
	(erf) = vrcp.f32 v25  }
0x12a: {  	v8 =	vadd.s32 v8, v15;
	v3 =	vadd.s32 v10, v17;
	v12 =	vld [tilespmem:s28+$0x70];
	(erf) = vrcp.f32 v22;
	v4 =	vpop (erf)  }
0x12b: {  	v10 =	vld [tilespmem:s28+$0xFFFFFF80];
	v15 =	vadd.f32 $1.000000000e+00, v4;
	(erf) = vrcp.f32 v28;
	v5 =	vpop (erf);
	v4 =	vadd.s32 v7, v13  }
0x12c: {  	v7 =	vld [tilespmem:s28+$0xFFFFFF90];
	v13 =	vmul.f32 $1.000000000e+04, v5;
	(erf) = vrcp.f32 v23;
	v17 =	vpop (erf);
	v5 =	vadd.s32 v6, v9  }
0x12d: {  	v6 =	vld [tilespmem:s28+$0xFFFFFFA0];
	v9 =	vadd.f32 $1.000000000e+00, v17;
	(erf) = vrcp.f32 v24;
	v17 =	vpop (erf)  }
0x12e: {  	v20 =	vld [tilespmem:s28+$0xFFFFFFB0];
	v17 =	vadd.f32 $1.000000000e+00, v17;
	v13 =	vtrunc.f32 v13;
	v21 =	vpop (erf);
	(erf) = vrcp.f32 v27  }
0x12f: {  	v27 =	vadd.f32 $1.000000000e+00, v21;
	v22 =	vld [tilespmem:s28+$0xFFFFFFC0];
	v13 =	vcvt.f32.s32 v13;
	vm0 =	vge.f32 v12, $5.000000000e-01;
	v12 =	vpop (erf)  }
0x130: {  	v23 =	vld [tilespmem:s28+$0xFFFFFFD0];
	v12 =	vadd.f32 $1.000000000e+00, v12;
	v28 =	vsel vm0, $0x2800, v2;
	(erf) = vrcp.f32 v26;
	v25 =	vpop (erf)  }
0x131: {  	v26 =	vld [tilespmem:s28+$0xFFFFFFE0];
	v25 =	vadd.f32 $1.000000000e+00, v25;
	v13 =	vadd.s32 v13, v28;
	(erf) = vrcp.f32 v27;
	v21 =	vpop (erf)  }
0x132: {  	vm8 =	vge.f32 v10, $5.000000000e-01;
	v10 =	vmul.f32 $1.000000000e+04, v21;
	v21 =	vld [tilespmem:s28+$0xFFFFFFF0];
	v24 =	vpop (erf);
	(erf) = vrcp.f32 v19  }
0x133: {  	vm9 =	vge.f32 v7, $5.000000000e-01;
	v7 =	vmul.f32 $1.000000000e+04, v24;
	v19 =	vld [tilespmem:s28+$0x0];
	v24 =	vpop (erf);
	(erf) = vrcp.f32 v15  }
0x134: {  	vm11 =	vge.f32 v6, $5.000000000e-01;
	v6 =	vmul.f32 $1.000000000e+04, v24;
	v15 =	vld [tilespmem:s28+$0x10];
	v24 =	vpop (erf);
	(erf) = vrcp.f32 v9  }
0x135: {  	vm10 =	vge.f32 v20, $5.000000000e-01;
	v9 =	vmul.f32 $1.000000000e+04, v24;
	v20 =	vld [tilespmem:s28+$0x20];
	v24 =	vpop (erf);
	(erf) = vrcp.f32 v17  }
0x136: {  	vm12 =	vge.f32 v22, $5.000000000e-01;
	v17 =	vmul.f32 $1.000000000e+04, v24;
	[tilespmem:v13+s18+$0x0] =	vst.idx.add.f32.msk $0xffff, v1;
	v13 =	vpop (erf);
	(erf) = vrcp.f32 v12  }
0x137: {  	vm13 =	vge.f32 v23, $5.000000000e-01;
	v12 =	vmul.f32 $1.000000000e+04, v13;
	v13 =	vld [tilespmem:s28+$0x30];
	v22 =	vpop (erf);
	(erf) = vrcp.f32 v25  }
0x138: {  	v24 =	vtrunc.f32 v10;
	vm14 =	vge.f32 v26, $5.000000000e-01;
	v10 =	vmul.f32 $1.000000000e+04, v22;
	v22 =	vld [tilespmem:s28+$0x40]  }
0x139: {  	v26 =	vtrunc.f32 v6;
	v25 =	vtrunc.f32 v7;
	vm0 =	vge.f32 v21, $5.000000000e-01;
	v7 =	vld [tilespmem:s28+$0x50];
	v6 =	vpop (erf)  }
0x13a: {  	v27 =	vtrunc.f32 v9;
	vm1 =	vge.f32 v19, $5.000000000e-01;
	v6 =	vmul.f32 $1.000000000e+04, v6;
	v9 =	vld [tilespmem:s28+$0x60];
	v19 =	vpop (erf)  }
0x13b: {  	v17 =	vtrunc.f32 v17;
	vm2 =	vge.f32 v15, $5.000000000e-01;
	v19 =	vmul.f32 $1.000000000e+04, v19;
	v15 =	vpop (erf);
	[tilespmem:v29+s18+$0x0] =	vst.idx.add.f32.msk $0xffff, v1  }
0x13c: {  	v12 =	vtrunc.f32 v12;
	vm3 =	vge.f32 v20, $5.000000000e-01;
	v15 =	vmul.f32 $1.000000000e+04, v15;
	v20 =	vpop (erf);
	[tilespmem:v16+s18+$0x0] =	vst.idx.add.f32.msk $0xffff, v1  }
0x13d: {  	vm4 =	vge.f32 v13, $5.000000000e-01;
	v16 =	vtrunc.f32 v19;
	v19 =	vmul.f32 $1.000000000e+04, v20;
	v13 =	vpop (erf);
	[tilespmem:v18+s18+$0x0] =	vst.idx.add.f32.msk $0xffff, v1  }
0x13e: {  	v18 =	vtrunc.f32 v10;
	vm5 =	vge.f32 v22, $5.000000000e-01;
	v10 =	vmul.f32 $1.000000000e+04, v13;
	v13 =	vpop (erf);
	[tilespmem:v14+s18+$0x0] =	vst.idx.add.f32.msk $0xffff, v1  }
0x13f: {  	v6 =	vtrunc.f32 v6;
	vm6 =	vge.f32 v7, $5.000000000e-01;
	v13 =	vmul.f32 $1.000000000e+04, v13;
	v14 =	vpop (erf);
	[tilespmem:v11+s18+$0x0] =	vst.idx.add.f32.msk $0xffff, v1  }
0x140: {  	v7 =	vtrunc.f32 v15;
	vm7 =	vge.f32 v9, $5.000000000e-01;
	v11 =	vmul.f32 $1.000000000e+04, v14;
	v9 =	vpop (erf);
	[tilespmem:v8+s18+$0x0] =	vst.idx.add.f32.msk $0xffff, v1  }
0x141: {  	v21 =	vsel vm8, $0x2800, v2;
	v8 =	vtrunc.f32 v19;
	v9 =	vmul.f32 $1.000000000e+04, v9;
	[tilespmem:v3+s18+$0x0] =	vst.idx.add.f32.msk $0xffff, v1  }
0x142: {  	v22 =	vsel vm9, $0x2800, v2;
	v15 =	vtrunc.f32 v10;
	v10 =	vtrunc.f32 v13;
	[tilespmem:v4+s18+$0x0] =	vst.idx.add.f32.msk $0xffff, v1  }
.Ltmp4:
0x143: {  	v23 =	vsel vm11, $0x2800, v2;
	v13 =	vtrunc.f32 v11;
	v9 =	vtrunc.f32 v9;
	[tilespmem:v5+s18+$0x0] =	vst.idx.add.f32.msk $0xffff, v1;
	(pc) =	sbr.rel @p1 .LBB2_7-.Ltmp4, $4  }
0x144: {  	v30 =	vcvt.f32.s32 v24;
	v24 =	vsel vm10, $0x2800, v2;
	v29 =	vcvt.f32.s32 v16  }
0x145: {  	v32 =	vcvt.f32.s32 v26;
	v26 =	vsel vm12, $0x2800, v2;
	v31 =	vcvt.f32.s32 v25  }
0x146: {  	v28 =	vcvt.f32.s32 v27;
	v27 =	vsel vm13, $0x2800, v2;
	v25 =	vcvt.f32.s32 v17  }
0x147: {  	s30 =	sadd.s32 $0x100, s30;
	v3 =	vcvt.f32.s32 v18;
	v4 =	vcvt.f32.s32 v12;
	v5 =	vsel vm14, $0x2800, v2  }
0x148: {  	v11 =	vadd.s32 v29, v21  }
0x149: {  	v12 =	vadd.s32 v30, v22  }
0x14a: {  	v14 =	vadd.s32 v31, v23  }
0x14b: {  	v16 =	vadd.s32 v32, v24  }
0x14c: {  	v17 =	vadd.s32 v28, v26  }
0x14d: {  	v18 =	vadd.s32 v25, v27;
	[tilespmem:v11+s18+$0x0] =	vst.idx.add.f32.msk $0xffff, v1  }
0x14e: {  	v53 =	vsel vm0, $0x2800, v2;
	v6 =	vcvt.f32.s32 v6;
	v4 =	vadd.s32 v4, v5;
	[tilespmem:v12+s18+$0x0] =	vst.idx.add.f32.msk $0xffff, v1  }
0x14f: {  	v54 =	vcvt.f32.s32 v7;
	v55 =	vsel vm1, $0x2800, v2;
	v3 =	vadd.s32 v3, v53;
	[tilespmem:v14+s18+$0x0] =	vst.idx.add.f32.msk $0xffff, v1  }
0x150: {  	v8 =	vcvt.f32.s32 v8;
	v56 =	vsel vm2, $0x2800, v2;
	v6 =	vadd.s32 v6, v55;
	[tilespmem:v16+s18+$0x0] =	vst.idx.add.f32.msk $0xffff, v1  }
0x151: {  	v57 =	vcvt.f32.s32 v15;
	v58 =	vsel vm3, $0x2800, v2;
	v5 =	vadd.s32 v54, v56;
	[tilespmem:v17+s18+$0x0] =	vst.idx.add.f32.msk $0xffff, v1  }
0x152: {  	v10 =	vcvt.f32.s32 v10;
	v59 =	vsel vm4, $0x2800, v2;
	v8 =	vadd.s32 v8, v58;
	[tilespmem:v18+s18+$0x0] =	vst.idx.add.f32.msk $0xffff, v1  }
0x153: {  	v60 =	vcvt.f32.s32 v13;
	v61 =	vsel vm5, $0x2800, v2;
	v7 =	vadd.s32 v57, v59;
	[tilespmem:v4+s18+$0x0] =	vst.idx.add.f32.msk $0xffff, v1  }
0x154: {  	v62 =	vcvt.f32.s32 v9;
	v63 =	vsel vm6, $0x2800, v2;
	v10 =	vadd.s32 v10, v61;
	[tilespmem:v3+s18+$0x0] =	vst.idx.add.f32.msk $0xffff, v1  }
0x155: {  	v9 =	vadd.s32 v60, v63;
	v3 =	vsel vm7, $0x2800, v2;
	[tilespmem:v6+s18+$0x0] =	vst.idx.add.f32.msk $0xffff, v1  }
0x156: {  	v3 =	vadd.s32 v62, v3;
	[tilespmem:v5+s18+$0x0] =	vst.idx.add.f32.msk $0xffff, v1  }
.Ltmp5:
0x157: {  	[tilespmem:v8+s18+$0x0] =	vst.idx.add.f32.msk $0xffff, v1;
	(pc) =	sbr.rel @p0 .LBB2_10-.Ltmp5, $4  }
0x158: {  	[tilespmem:v7+s18+$0x0] =	vst.idx.add.f32.msk $0xffff, v1  }
0x159: {  	[tilespmem:v10+s18+$0x0] =	vst.idx.add.f32.msk $0xffff, v1  }
0x15a: {  	[tilespmem:v9+s18+$0x0] =	vst.idx.add.f32.msk $0xffff, v1  }
0x15b: {  	[tilespmem:v3+s18+$0x0] =	vst.idx.add.f32.msk $0xffff, v1  }
0x15c: {  	s26 =	sadd.s32 s26, s10  }
.Ltmp6:
0x15d: {  	s26 =	sshrl.u32 s26, $0x3;
	(pc) =	sbr.rel .LBB2_4-.Ltmp6, $4  }
0x15e: {  	s28 =	sadd.s32 s1, s26  }
0x15f: {  	[tilespmem:s14], [sflag:$0x2] =	stream.linear.gather [hbm4b:s28+s4], $0x2000, $0x38;
	[tilespmem:$0xD000] =	vst v63  }
0x160: {  	s25 =	sadd.s32 $0x1, s25;
	s26 =	sadd.s32 s3, s26  }
0x161: {  	[tilespmem:s15], [sflag:$0x4] =	stream.linear.gather [hbm4b:s26+s4], $0x2000, $0x38;
	[tilespmem:$0xD000] =	vst v63  }
.LBB2_11:
0x162: {  	_ =	sfence.sel $0x180000  }
0x163: {  	[bflag:$0x0] =	sbarrier.arrive $0xFFFF  }
0x164: {  	p0 =	sne.s32 s0, $0x0;
	_ =	strace $0x90000047  }
0x165: {  	s0 =	sadd.s32 @!p0 $0x100000, s2;
	[bflag:$0x2] =	sbarrier.arrive $0xFFFF  }
0x166: {  	[sflag:s0] =	ssyncadd.tile.s32 @!p0 $0x1;
	_ =	shalt  }
.Lfunc_end2:
_tile_overlayer_lowered:
.L_overlay_start_2:
0x167: {  	(tag) =	ssettag $0x2  }
0x168: {  	s0 =	rddreg [dreg:$0x0];
	s2 =	stileid.u32  }
0x169: {  	s1 =	rddreg [dreg:$0x1];
	p0 =	sne.s32 s2, $0x0  }
0x16a: {  	s3 =	rddreg [dreg:$0x2];
	[bflag:$0x3] =	sbarrier.arrive $0xFFFF;
	s2 =	simm.s32 @!p0 $0x1C05  }
0x16b: {  	[timem:s3], [sflag:s2] =	dma.local @!p0 [hbm:s0], s1  }
0x16c: {  	s0 =	simm.s32 @!p0 $0x5  }
0x16d: {  	_ =	swait.ge @!p0 [sflag:s0], s1  }
0x16e: {  	s1 =	ssub.s32 @!p0 $0x0, s1;
	[sflag:s0] =	ssyncset.done @!p0 $0x0  }
0x16f: {  	[sflag:s0] =	ssyncadd.s32 @!p0 s1  }
0x170: {  	[bflag:$0x3] =	sbarrier.arrive $0xFFFF  }
0x171: {  	_ =	shalt  }

</sc_bundles>
